<compile_context>
chip_gen: v7x
topology: tpu7x:2x2x1
jax: 0.10.2.dev20260603
libtpu: 0.0.44.dev20260713+nightly
codegen_flags: <defaults>
</compile_context>

<pallas_src>
import functools

import jax
import jax.numpy as jnp
from jax import lax
from jax.experimental import pallas as pl
from jax.experimental.pallas import tpu as pltpu
from jax.experimental.pallas import tpu_sc as plsc

ALPHA = 40.0
N_EPS = 1e-6
L = 16


def _rsqrt16(x, iters):
  xs = jnp.maximum(x, jnp.float32(1e-30))
  i = plsc.bitcast(xs, jnp.int32)
  i = jnp.int32(0x5F3759DF) - (i >> 1)
  y = plsc.bitcast(i, jnp.float32)
  for _ in range(iters):
    y = y * (jnp.float32(1.5) - jnp.float32(0.5) * xs * y * y)
  return y


def _sqrt16(x):
  return jnp.maximum(x, jnp.float32(1e-30)) * _rsqrt16(x, 3)


def _sc_kernel(n, num_subcores):
  n_per_tile = n // num_subcores
  groups = n_per_tile // L
  mesh = plsc.VectorSubcoreMesh(
      core_axis_name="c", subcore_axis_name="s",
      num_cores=2, num_subcores=num_subcores)
  inv_scale = jnp.float32(0.5 / n)

  @functools.partial(
      pl.kernel,
      out_type=jax.ShapeDtypeStruct((2, L), jnp.float32),
      mesh=mesh,
      compiler_params=pltpu.CompilerParams(needs_layout_passes=False),
      scratch_types=[
          pltpu.VMEM((n_per_tile,), jnp.int32),
          pltpu.VMEM((n_per_tile,), jnp.float32),
          pltpu.VMEM((n_per_tile,), jnp.float32),
          pltpu.VMEM((n_per_tile,), jnp.float32),
          pltpu.VMEM((6, n_per_tile), jnp.float32),
          pltpu.VMEM((L,), jnp.float32),
          pltpu.VMEM((num_subcores, L), jnp.float32),
          pltpu.VMEM_SHARED((n,), jnp.float32),
          pltpu.VMEM_SHARED((num_subcores, L), jnp.float32),
          pltpu.SemaphoreType.DMA,
          pltpu.SemaphoreType.DMA,
      ],
  )
  def kernel(pts_all, idx_all, out,
             idx_v, ones_v, zro_v, cnt_v, xyz_v,
             res_v, acc_v, hist_sh, part_sh, sem, sem2):
    c = lax.axis_index("c")
    s = lax.axis_index("s")
    lanes = lax.iota(jnp.int32, L)

    def fill(ref, length, value):
      v = jnp.full((L,), value, jnp.float32)
      def body(g, carry):
        ref[pl.ds(g * L, L)] = v
        return carry
      lax.fori_loop(0, length // L, body, 0)

    def side(i_off, a_off, frac):
      base = s * n_per_tile
      idx_dma = pltpu.async_copy(
          idx_all.at[pl.ds(i_off + base, n_per_tile)], idx_v, sem)
      coord_dmas = [
          pltpu.async_copy(
              pts_all.at[pl.ds(a_off + p * n + base, n_per_tile)],
              xyz_v.at[p], sem2)
          for p in range(6)
      ]
      fill(zro_v, n_per_tile, 0.0)
      fill(ones_v, n_per_tile, 1.0)
      pltpu.sync_copy(zro_v, hist_sh.at[pl.ds(base, n_per_tile)])
      idx_dma.wait()
      plsc.subcore_barrier()
      pltpu.sync_copy(ones_v, hist_sh.at[idx_v], add=True)
      plsc.subcore_barrier()
      gat = pltpu.async_copy(hist_sh.at[idx_v], cnt_v, sem)
      for d in coord_dmas:
        d.wait()
      gat.wait()

      def body(g, acc):
        sl = pl.ds(g * L, L)
        dx = xyz_v[0, sl] - xyz_v[3, sl]
        dy = xyz_v[1, sl] - xyz_v[4, sl]
        dz = xyz_v[2, sl] - xyz_v[5, sl]
        dist = _sqrt16(dx * dx + dy * dy + dz * dz)
        e = jnp.exp(-jnp.float32(ALPHA) * dist)
        cost = frac * e * _rsqrt16(cnt_v[sl], 3)
        return acc + jnp.abs(jnp.float32(1.0) - cost)

      acc = lax.fori_loop(0, groups, body, jnp.zeros((L,), jnp.float32))

      res_v[...] = acc
      pltpu.sync_copy(res_v, part_sh.at[s])
      plsc.subcore_barrier()

      @pl.when(s == 0)
      def _():
        pltpu.sync_copy(part_sh, acc_v)
        tot = acc_v[0, :]
        for i in range(1, num_subcores):
          tot = tot + acc_v[i, :]
        total = jnp.sum(tot) * inv_scale
        res_v[...] = jnp.where(lanes == 0, total, jnp.float32(0.0))
        pltpu.sync_copy(res_v, out.at[c])

    side(c * n, c * (6 * n), jnp.float32(1.0))

  return kernel


@jax.jit
def kernel(gt_pts, gt_paired_pts, pred_pts, pred_paired_pts,
           gt_paired_idx, pred_paired_idx):
  n = gt_pts.shape[0]
  assert pred_pts.shape[0] == n
  pts_all = jnp.stack(
      [gt_pts.T, gt_paired_pts.T, pred_pts.T, pred_paired_pts.T]
  ).reshape(-1)
  idx_all = jnp.concatenate([
      gt_paired_idx.astype(jnp.int32),
      pred_paired_idx.astype(jnp.int32),
  ])
  out = _sc_kernel(n, 16)(pts_all, idx_all)
  return out[0, 0] + out[1, 0]

# --- scband reference (transcript-rebuilt; emitter-appended) ---
"""Pipeline reference for scband-dcd-loss-56392920596800 (READ-ONLY COPY).

The authoritative reference and input builder live on the scoring server;
editing this copy changes nothing except your own understanding.
"""

import jax, jax.numpy as jnp
import numpy as np

ALPHA = 40.0
N_LAMBDA = 0.5


def setup_inputs(seed: int = 0) -> dict:
    key = jax.random.key(seed)
    k1, k2, k3, k4, k5, k6 = jax.random.split(key, 6)
    num_gts = 16384
    num_preds = 16384
    gt_pts = jax.random.uniform(k1, (num_gts, 3), dtype=jnp.float32)
    gt_paired_pts = jax.random.uniform(k2, (num_gts, 3), dtype=jnp.float32)
    pred_pts = jax.random.uniform(k3, (num_preds, 3), dtype=jnp.float32)
    pred_paired_pts = jax.random.uniform(k4, (num_preds, 3), dtype=jnp.float32)
    gt_paired_idx = jax.random.randint(k5, (num_gts,), 0, num_preds, dtype=jnp.int64 if jax.config.jax_enable_x64 else jnp.int32)
    pred_paired_idx = jax.random.randint(k6, (num_preds,), 0, num_gts, dtype=jnp.int64 if jax.config.jax_enable_x64 else jnp.int32)
    return {
        "gt_pts": gt_pts,
        "gt_paired_pts": gt_paired_pts,
        "pred_pts": pred_pts,
        "pred_paired_pts": pred_paired_pts,
        "gt_paired_idx": gt_paired_idx,
        "pred_paired_idx": pred_paired_idx,
    }


def reference(gt_pts, gt_paired_pts, pred_pts, pred_paired_pts, gt_paired_idx, pred_paired_idx):
    num_preds = pred_pts.shape[0]
    num_gts = gt_pts.shape[0]
    # non_reg=False branch
    frac_12 = num_preds / num_gts
    frac_21 = num_gts / num_preds
    weight_gt = jnp.ones((num_gts,), dtype=jnp.float32)

    nx = jnp.bincount(gt_paired_idx, length=num_preds)[gt_paired_idx].astype(jnp.float32) ** N_LAMBDA
    ny = jnp.bincount(pred_paired_idx, length=num_gts)[pred_paired_idx].astype(jnp.float32) ** N_LAMBDA
    nx = jax.lax.stop_gradient(nx)
    ny = jax.lax.stop_gradient(ny)

    gt_cost = frac_21 * jnp.exp(-ALPHA * jnp.linalg.norm(gt_pts - gt_paired_pts, axis=-1)) / (nx + 1e-06)
    loss_1 = jnp.abs(jnp.ones((num_gts,), dtype=jnp.float32) - gt_cost) * weight_gt

    pred_cost = frac_12 * jnp.exp(-ALPHA * jnp.linalg.norm(pred_pts - pred_paired_pts, axis=-1)) / (ny + 1e-06)
    loss_2 = jnp.abs(jnp.ones((num_preds,), dtype=jnp.float32) - pred_cost)

    return (loss_1.mean() + loss_2.mean()) * 0.5

if __name__ == "__main__":
    import jax
    _d = setup_inputs()
    print(jax.jit(kernel)(*tuple(_d.values())))

</pallas_src>

<mosaic_0001>
#map = affine_map<(d0, d1) -> (0)>
#map1 = affine_map<(d0, d1) -> (0, 0)>
module attributes {stable_mosaic.version = 14 : i64} {
  func.func @_rewritten_body(%arg0: i32, %arg1: i32, %arg2: memref<196608xf32, #tpu.memory_space<hbm>>, %arg3: memref<32768xi32, #tpu.memory_space<hbm>>, %arg4: memref<1xf32, #tpu.memory_space<hbm>>, %arg5: memref<2x16xf32, #tpu.memory_space<hbm>>, %arg6: memref<1024xi32, #tpu.memory_space<vmem>>, %arg7: memref<1024xf32, #tpu.memory_space<vmem>>, %arg8: memref<1024xf32, #tpu.memory_space<vmem>>, %arg9: memref<1024xf32, #tpu.memory_space<vmem>>, %arg10: memref<6x1024xf32, #tpu.memory_space<vmem>>, %arg11: memref<16xf32, #tpu.memory_space<vmem>>, %arg12: memref<16x16xf32, #tpu.memory_space<vmem>>, %arg13: memref<16384xf32, #tpu.memory_space<vmem_shared>>, %arg14: memref<16x16xf32, #tpu.memory_space<vmem_shared>>, %arg15: memref<!tpu.dma_semaphore, #tpu.memory_space<semaphore_mem>>, %arg16: memref<!tpu.dma_semaphore, #tpu.memory_space<semaphore_mem>>) attributes {dimension_semantics = [#tpu.dimension_semantics<core_parallel>, #tpu.dimension_semantics<subcore_parallel>], iteration_bounds = array<i64: 2, 16>, scalar_prefetch = 0 : i64, scratch_operands = 11 : i64, tpu.core_type = #tpu.core_type<sc_vector_subcore>, window_params = [{transform_indices = #map}, {transform_indices = #map}, {transform_indices = #map}, {transform_indices = #map1}]} {
    %empty_ref3A = memref.alloca() : memref<16xf32, #tpu.memory_space<vmem>>
    "tpu.region"() ({
      %run_scoped3A = tpu.sem_alloc : memref<!tpu.dma_semaphore, #tpu.memory_space<semaphore_mem>>
      %dma_start3A_166 = arith.constant 0 : i32
      %dma_start3A_167 = tpu.memref_slice %empty_ref3A[%dma_start3A_166] : memref<16xf32, #tpu.memory_space<vmem>> -> memref<1xf32, #tpu.memory_space<vmem>>
      %dma_start3A_168 = arith.constant 0 : i32
      %dma_start3A_169 = tpu.memref_slice %empty_ref3A[%dma_start3A_168] : memref<16xf32, #tpu.memory_space<vmem>> -> memref<1xf32, #tpu.memory_space<vmem>>
      tpu.enqueue_dma source(%arg4 : memref<1xf32, #tpu.memory_space<hbm>>) target(%dma_start3A_169 : memref<1xf32, #tpu.memory_space<vmem>>) target_semaphore(%run_scoped3A : memref<!tpu.dma_semaphore, #tpu.memory_space<semaphore_mem>>)
      %dma_wait3A_170 = arith.constant 0 : i32
      %dma_wait3A_171 = tpu.memref_slice %empty_ref3A[%dma_wait3A_170] : memref<16xf32, #tpu.memory_space<vmem>> -> memref<1xf32, #tpu.memory_space<vmem>>
      %dma_wait3A_172 = arith.constant 0 : i32
      %dma_wait3A_173 = tpu.memref_slice %empty_ref3A[%dma_wait3A_172] : memref<16xf32, #tpu.memory_space<vmem>> -> memref<1xf32, #tpu.memory_space<vmem>>
      tpu.wait_dma2 semaphore(%run_scoped3A : memref<!tpu.dma_semaphore, #tpu.memory_space<semaphore_mem>>) src(%arg4 : memref<1xf32, #tpu.memory_space<hbm>>) dst(%dma_wait3A_173 : memref<1xf32, #tpu.memory_space<vmem>>)
      tpu.yield
    }) : () -> ()
    %get3A = arith.constant 0 : index
    %get3A_0 = tpu.vector_load %empty_ref3A[%get3A] {strides = array<i32>} : memref<16xf32, #tpu.memory_space<vmem>>, vector<16xf32>,
    %slice3A = vector.extract_strided_slice %get3A_0 {offsets = [0], sizes = [1], strides = [1]} : vector<16xf32> to vector<1xf32>
    %squeeze3A = vector.extract %slice3A[0] : f32 from vector<1xf32>
    %iota3A = tpu.iota {dimensions = array<i32: 0>} : vector<16xi32>
    %mul3A = arith.constant 16384 : i32
    %mul3A_1 = arith.muli %arg0, %mul3A : i32
    %mul3A_2 = arith.constant 98304 : i32
    %mul3A_3 = arith.muli %arg0, %mul3A_2 : i32
    %mul3A_4 = arith.constant 1024 : i32
    %mul3A_5 = arith.muli %arg1, %mul3A_4 : i32
    %add3A = arith.addi %mul3A_1, %mul3A_5 : i32
    %dma_start3A = tpu.memref_slice %arg3[%add3A] : memref<32768xi32, #tpu.memory_space<hbm>> -> memref<1024xi32, #tpu.memory_space<hbm>>
    %dma_start3A_6 = tpu.memref_slice %arg3[%add3A] : memref<32768xi32, #tpu.memory_space<hbm>> -> memref<1024xi32, #tpu.memory_space<hbm>>
    tpu.enqueue_dma source(%dma_start3A_6 : memref<1024xi32, #tpu.memory_space<hbm>>) target(%arg6 : memref<1024xi32, #tpu.memory_space<vmem>>) target_semaphore(%arg15 : memref<!tpu.dma_semaphore, #tpu.memory_space<semaphore_mem>>)
    %add3A_7 = arith.constant 0 : i32
    %add3A_8 = arith.addi %mul3A_3, %add3A_7 : i32
    %add3A_9 = arith.addi %add3A_8, %mul3A_5 : i32
    %dma_start3A_10 = arith.constant 0 : i32
    %dma_start3A_11 = arith.constant 0 : i32
    %dma_start3A_12 = tpu.memref_slice %arg10[%dma_start3A_10, %dma_start3A_11] : memref<6x1024xf32, #tpu.memory_space<vmem>> -> memref<1x1024xf32, #tpu.memory_space<vmem>>
    %dma_start3A_13 = tpu.memref_squeeze %dma_start3A_12 : memref<1x1024xf32, #tpu.memory_space<vmem>> -> memref<1024xf32, #tpu.memory_space<vmem>>
    %dma_start3A_14 = tpu.memref_slice %arg2[%add3A_9] : memref<196608xf32, #tpu.memory_space<hbm>> -> memref<1024xf32, #tpu.memory_space<hbm>>
    %dma_start3A_15 = arith.constant 0 : i32
    %dma_start3A_16 = tpu.memref_slice %arg10[%dma_start3A_10, %dma_start3A_15] : memref<6x1024xf32, #tpu.memory_space<vmem>> -> memref<1x1024xf32, #tpu.memory_space<vmem>>
    %dma_start3A_17 = tpu.memref_squeeze %dma_start3A_16 : memref<1x1024xf32, #tpu.memory_space<vmem>> -> memref<1024xf32, #tpu.memory_space<vmem>>
    %dma_start3A_18 = tpu.memref_slice %arg2[%add3A_9] : memref<196608xf32, #tpu.memory_space<hbm>> -> memref<1024xf32, #tpu.memory_space<hbm>>
    tpu.enqueue_dma source(%dma_start3A_18 : memref<1024xf32, #tpu.memory_space<hbm>>) target(%dma_start3A_17 : memref<1024xf32, #tpu.memory_space<vmem>>) target_semaphore(%arg16 : memref<!tpu.dma_semaphore, #tpu.memory_space<semaphore_mem>>)
    %add3A_19 = arith.constant 16384 : i32
    %add3A_20 = arith.addi %mul3A_3, %add3A_19 : i32
    %add3A_21 = arith.addi %add3A_20, %mul3A_5 : i32
    %dma_start3A_22 = arith.constant 1 : i32
    %dma_start3A_23 = arith.constant 0 : i32
    %dma_start3A_24 = tpu.memref_slice %arg10[%dma_start3A_22, %dma_start3A_23] : memref<6x1024xf32, #tpu.memory_space<vmem>> -> memref<1x1024xf32, #tpu.memory_space<vmem>>
    %dma_start3A_25 = tpu.memref_squeeze %dma_start3A_24 : memref<1x1024xf32, #tpu.memory_space<vmem>> -> memref<1024xf32, #tpu.memory_space<vmem>>
    %dma_start3A_26 = tpu.memref_slice %arg2[%add3A_21] : memref<196608xf32, #tpu.memory_space<hbm>> -> memref<1024xf32, #tpu.memory_space<hbm>>
    %dma_start3A_27 = arith.constant 0 : i32
    %dma_start3A_28 = tpu.memref_slice %arg10[%dma_start3A_22, %dma_start3A_27] : memref<6x1024xf32, #tpu.memory_space<vmem>> -> memref<1x1024xf32, #tpu.memory_space<vmem>>
    %dma_start3A_29 = tpu.memref_squeeze %dma_start3A_28 : memref<1x1024xf32, #tpu.memory_space<vmem>> -> memref<1024xf32, #tpu.memory_space<vmem>>
    %dma_start3A_30 = tpu.memref_slice %arg2[%add3A_21] : memref<196608xf32, #tpu.memory_space<hbm>> -> memref<1024xf32, #tpu.memory_space<hbm>>
    tpu.enqueue_dma source(%dma_start3A_30 : memref<1024xf32, #tpu.memory_space<hbm>>) target(%dma_start3A_29 : memref<1024xf32, #tpu.memory_space<vmem>>) target_semaphore(%arg16 : memref<!tpu.dma_semaphore, #tpu.memory_space<semaphore_mem>>)
    %add3A_31 = arith.constant 32768 : i32
    %add3A_32 = arith.addi %mul3A_3, %add3A_31 : i32
    %add3A_33 = arith.addi %add3A_32, %mul3A_5 : i32
    %dma_start3A_34 = arith.constant 2 : i32
    %dma_start3A_35 = arith.constant 0 : i32
    %dma_start3A_36 = tpu.memref_slice %arg10[%dma_start3A_34, %dma_start3A_35] : memref<6x1024xf32, #tpu.memory_space<vmem>> -> memref<1x1024xf32, #tpu.memory_space<vmem>>
    %dma_start3A_37 = tpu.memref_squeeze %dma_start3A_36 : memref<1x1024xf32, #tpu.memory_space<vmem>> -> memref<1024xf32, #tpu.memory_space<vmem>>
    %dma_start3A_38 = tpu.memref_slice %arg2[%add3A_33] : memref<196608xf32, #tpu.memory_space<hbm>> -> memref<1024xf32, #tpu.memory_space<hbm>>
    %dma_start3A_39 = arith.constant 0 : i32
    %dma_start3A_40 = tpu.memref_slice %arg10[%dma_start3A_34, %dma_start3A_39] : memref<6x1024xf32, #tpu.memory_space<vmem>> -> memref<1x1024xf32, #tpu.memory_space<vmem>>
    %dma_start3A_41 = tpu.memref_squeeze %dma_start3A_40 : memref<1x1024xf32, #tpu.memory_space<vmem>> -> memref<1024xf32, #tpu.memory_space<vmem>>
    %dma_start3A_42 = tpu.memref_slice %arg2[%add3A_33] : memref<196608xf32, #tpu.memory_space<hbm>> -> memref<1024xf32, #tpu.memory_space<hbm>>
    tpu.enqueue_dma source(%dma_start3A_42 : memref<1024xf32, #tpu.memory_space<hbm>>) target(%dma_start3A_41 : memref<1024xf32, #tpu.memory_space<vmem>>) target_semaphore(%arg16 : memref<!tpu.dma_semaphore, #tpu.memory_space<semaphore_mem>>)
    %add3A_43 = arith.constant 49152 : i32
    %add3A_44 = arith.addi %mul3A_3, %add3A_43 : i32
    %add3A_45 = arith.addi %add3A_44, %mul3A_5 : i32
    %dma_start3A_46 = arith.constant 3 : i32
    %dma_start3A_47 = arith.constant 0 : i32
    %dma_start3A_48 = tpu.memref_slice %arg10[%dma_start3A_46, %dma_start3A_47] : memref<6x1024xf32, #tpu.memory_space<vmem>> -> memref<1x1024xf32, #tpu.memory_space<vmem>>
    %dma_start3A_49 = tpu.memref_squeeze %dma_start3A_48 : memref<1x1024xf32, #tpu.memory_space<vmem>> -> memref<1024xf32, #tpu.memory_space<vmem>>
    %dma_start3A_50 = tpu.memref_slice %arg2[%add3A_45] : memref<196608xf32, #tpu.memory_space<hbm>> -> memref<1024xf32, #tpu.memory_space<hbm>>
    %dma_start3A_51 = arith.constant 0 : i32
    %dma_start3A_52 = tpu.memref_slice %arg10[%dma_start3A_46, %dma_start3A_51] : memref<6x1024xf32, #tpu.memory_space<vmem>> -> memref<1x1024xf32, #tpu.memory_space<vmem>>
    %dma_start3A_53 = tpu.memref_squeeze %dma_start3A_52 : memref<1x1024xf32, #tpu.memory_space<vmem>> -> memref<1024xf32, #tpu.memory_space<vmem>>
    %dma_start3A_54 = tpu.memref_slice %arg2[%add3A_45] : memref<196608xf32, #tpu.memory_space<hbm>> -> memref<1024xf32, #tpu.memory_space<hbm>>
    tpu.enqueue_dma source(%dma_start3A_54 : memref<1024xf32, #tpu.memory_space<hbm>>) target(%dma_start3A_53 : memref<1024xf32, #tpu.memory_space<vmem>>) target_semaphore(%arg16 : memref<!tpu.dma_semaphore, #tpu.memory_space<semaphore_mem>>)
    %add3A_55 = arith.constant 65536 : i32
    %add3A_56 = arith.addi %mul3A_3, %add3A_55 : i32
    %add3A_57 = arith.addi %add3A_56, %mul3A_5 : i32
    %dma_start3A_58 = arith.constant 4 : i32
    %dma_start3A_59 = arith.constant 0 : i32
    %dma_start3A_60 = tpu.memref_slice %arg10[%dma_start3A_58, %dma_start3A_59] : memref<6x1024xf32, #tpu.memory_space<vmem>> -> memref<1x1024xf32, #tpu.memory_space<vmem>>
    %dma_start3A_61 = tpu.memref_squeeze %dma_start3A_60 : memref<1x1024xf32, #tpu.memory_space<vmem>> -> memref<1024xf32, #tpu.memory_space<vmem>>
    %dma_start3A_62 = tpu.memref_slice %arg2[%add3A_57] : memref<196608xf32, #tpu.memory_space<hbm>> -> memref<1024xf32, #tpu.memory_space<hbm>>
    %dma_start3A_63 = arith.constant 0 : i32
    %dma_start3A_64 = tpu.memref_slice %arg10[%dma_start3A_58, %dma_start3A_63] : memref<6x1024xf32, #tpu.memory_space<vmem>> -> memref<1x1024xf32, #tpu.memory_space<vmem>>
    %dma_start3A_65 = tpu.memref_squeeze %dma_start3A_64 : memref<1x1024xf32, #tpu.memory_space<vmem>> -> memref<1024xf32, #tpu.memory_space<vmem>>
    %dma_start3A_66 = tpu.memref_slice %arg2[%add3A_57] : memref<196608xf32, #tpu.memory_space<hbm>> -> memref<1024xf32, #tpu.memory_space<hbm>>
    tpu.enqueue_dma source(%dma_start3A_66 : memref<1024xf32, #tpu.memory_space<hbm>>) target(%dma_start3A_65 : memref<1024xf32, #tpu.memory_space<vmem>>) target_semaphore(%arg16 : memref<!tpu.dma_semaphore, #tpu.memory_space<semaphore_mem>>)
    %add3A_67 = arith.constant 81920 : i32
    %add3A_68 = arith.addi %mul3A_3, %add3A_67 : i32
    %add3A_69 = arith.addi %add3A_68, %mul3A_5 : i32
    %dma_start3A_70 = arith.constant 5 : i32
    %dma_start3A_71 = arith.constant 0 : i32
    %dma_start3A_72 = tpu.memref_slice %arg10[%dma_start3A_70, %dma_start3A_71] : memref<6x1024xf32, #tpu.memory_space<vmem>> -> memref<1x1024xf32, #tpu.memory_space<vmem>>
    %dma_start3A_73 = tpu.memref_squeeze %dma_start3A_72 : memref<1x1024xf32, #tpu.memory_space<vmem>> -> memref<1024xf32, #tpu.memory_space<vmem>>
    %dma_start3A_74 = tpu.memref_slice %arg2[%add3A_69] : memref<196608xf32, #tpu.memory_space<hbm>> -> memref<1024xf32, #tpu.memory_space<hbm>>
    %dma_start3A_75 = arith.constant 0 : i32
    %dma_start3A_76 = tpu.memref_slice %arg10[%dma_start3A_70, %dma_start3A_75] : memref<6x1024xf32, #tpu.memory_space<vmem>> -> memref<1x1024xf32, #tpu.memory_space<vmem>>
    %dma_start3A_77 = tpu.memref_squeeze %dma_start3A_76 : memref<1x1024xf32, #tpu.memory_space<vmem>> -> memref<1024xf32, #tpu.memory_space<vmem>>
    %dma_start3A_78 = tpu.memref_slice %arg2[%add3A_69] : memref<196608xf32, #tpu.memory_space<hbm>> -> memref<1024xf32, #tpu.memory_space<hbm>>
    tpu.enqueue_dma source(%dma_start3A_78 : memref<1024xf32, #tpu.memory_space<hbm>>) target(%dma_start3A_77 : memref<1024xf32, #tpu.memory_space<vmem>>) target_semaphore(%arg16 : memref<!tpu.dma_semaphore, #tpu.memory_space<semaphore_mem>>)
    %broadcast_in_dim3A = arith.constant 0.000000e+00 : f32
    %broadcast_in_dim3A_79 = vector.broadcast %broadcast_in_dim3A : f32 to vector<16xf32>
    %scan3A = arith.constant 0 : i32
    %scan3A_80 = arith.constant 0 : i32
    %scan3A_81 = arith.constant 64 : i32
    %scan3A_82 = arith.addi %scan3A_80, %scan3A_81 : i32
    %scan3A_83 = arith.constant 1 : i32
    scf.for %scan3A_166 = %scan3A_80 to %scan3A_82 step %scan3A_83  : i32 {
      %mul3A_167 = arith.constant 16 : i32
      %mul3A_168 = arith.muli %scan3A_166, %mul3A_167 : i32
      %swap3A_169 = arith.index_cast %mul3A_168 : i32 to index
      %swap3A_170 = tpu.vector_load %arg8[%swap3A_169] {strides = array<i32>} : memref<1024xf32, #tpu.memory_space<vmem>>, vector<16xf32>,
      tpu.vector_store %arg8[%swap3A_169], %broadcast_in_dim3A_79 {strides = array<i32>} : memref<1024xf32, #tpu.memory_space<vmem>>, vector<16xf32>,
    }
    %scan3A_84 = arith.constant 64 : i32
    %broadcast_in_dim3A_85 = arith.constant 1.000000e+00 : f32
    %broadcast_in_dim3A_86 = vector.broadcast %broadcast_in_dim3A_85 : f32 to vector<16xf32>
    %scan3A_87 = arith.constant 0 : i32
    %scan3A_88 = arith.constant 0 : i32
    %scan3A_89 = arith.constant 64 : i32
    %scan3A_90 = arith.addi %scan3A_88, %scan3A_89 : i32
    %scan3A_91 = arith.constant 1 : i32
    scf.for %scan3A_166 = %scan3A_88 to %scan3A_90 step %scan3A_91  : i32 {
      %mul3A_167 = arith.constant 16 : i32
      %mul3A_168 = arith.muli %scan3A_166, %mul3A_167 : i32
      %swap3A_169 = arith.index_cast %mul3A_168 : i32 to index
      %swap3A_170 = tpu.vector_load %arg7[%swap3A_169] {strides = array<i32>} : memref<1024xf32, #tpu.memory_space<vmem>>, vector<16xf32>,
      tpu.vector_store %arg7[%swap3A_169], %broadcast_in_dim3A_86 {strides = array<i32>} : memref<1024xf32, #tpu.memory_space<vmem>>, vector<16xf32>,
    }
    %scan3A_92 = arith.constant 64 : i32
    "tpu.region"() ({
      %run_scoped3A = tpu.sem_alloc : memref<!tpu.dma_semaphore, #tpu.memory_space<semaphore_mem>>
      %dma_start3A_166 = tpu.memref_slice %arg13[%mul3A_5] : memref<16384xf32, #tpu.memory_space<vmem_shared>> -> memref<1024xf32, #tpu.memory_space<vmem_shared>>
      %dma_start3A_167 = tpu.memref_slice %arg13[%mul3A_5] : memref<16384xf32, #tpu.memory_space<vmem_shared>> -> memref<1024xf32, #tpu.memory_space<vmem_shared>>
      tpu.enqueue_dma source(%arg8 : memref<1024xf32, #tpu.memory_space<vmem>>) target(%dma_start3A_167 : memref<1024xf32, #tpu.memory_space<vmem_shared>>) target_semaphore(%run_scoped3A : memref<!tpu.dma_semaphore, #tpu.memory_space<semaphore_mem>>)
      %dma_wait3A_168 = tpu.memref_slice %arg13[%mul3A_5] : memref<16384xf32, #tpu.memory_space<vmem_shared>> -> memref<1024xf32, #tpu.memory_space<vmem_shared>>
      %dma_wait3A_169 = tpu.memref_slice %arg13[%mul3A_5] : memref<16384xf32, #tpu.memory_space<vmem_shared>> -> memref<1024xf32, #tpu.memory_space<vmem_shared>>
      tpu.wait_dma2 semaphore(%run_scoped3A : memref<!tpu.dma_semaphore, #tpu.memory_space<semaphore_mem>>) src(%arg8 : memref<1024xf32, #tpu.memory_space<vmem>>) dst(%dma_wait3A_169 : memref<1024xf32, #tpu.memory_space<vmem_shared>>)
      tpu.yield
    }) : () -> ()
    %dma_wait3A = tpu.memref_slice %arg3[%add3A] : memref<32768xi32, #tpu.memory_space<hbm>> -> memref<1024xi32, #tpu.memory_space<hbm>>
    %dma_wait3A_93 = tpu.memref_slice %arg3[%add3A] : memref<32768xi32, #tpu.memory_space<hbm>> -> memref<1024xi32, #tpu.memory_space<hbm>>
    tpu.wait_dma2 semaphore(%arg15 : memref<!tpu.dma_semaphore, #tpu.memory_space<semaphore_mem>>) src(%dma_wait3A_93 : memref<1024xi32, #tpu.memory_space<hbm>>) dst(%arg6 : memref<1024xi32, #tpu.memory_space<vmem>>)
    %barrier3A = arith.constant 0 : index
    tpu.barrier barrier_id(%barrier3A)
    "tpu.region"() ({
      %run_scoped3A = tpu.sem_alloc : memref<!tpu.dma_semaphore, #tpu.memory_space<semaphore_mem>>
      %dma_start3A_166 = arith.constant 0 : i32
      %dma_start3A_167 = tpu.memref_slice %arg13[%dma_start3A_166] : memref<16384xf32, #tpu.memory_space<vmem_shared>> -> memref<16384xf32, #tpu.memory_space<vmem_shared>>
      tpu.enqueue_indirect_dma source(%arg7 : memref<1024xf32, #tpu.memory_space<vmem>>) target(%dma_start3A_167 : memref<16384xf32, #tpu.memory_space<vmem_shared>>) offsets(%arg6 : memref<1024xi32, #tpu.memory_space<vmem>>) semaphore(%run_scoped3A : memref<!tpu.dma_semaphore, #tpu.memory_space<semaphore_mem>>) {add = true}
      %dma_wait3A_168 = arith.constant 0 : i32
      %dma_wait3A_169 = tpu.memref_slice %arg13[%dma_wait3A_168] : memref<16384xf32, #tpu.memory_space<vmem_shared>> -> memref<16384xf32, #tpu.memory_space<vmem_shared>>
      tpu.wait_indirect_dma semaphore(%run_scoped3A : memref<!tpu.dma_semaphore, #tpu.memory_space<semaphore_mem>>) src(%arg7 : memref<1024xf32, #tpu.memory_space<vmem>>) dst(%dma_wait3A_169 : memref<16384xf32, #tpu.memory_space<vmem_shared>>)
      tpu.yield
    }) : () -> ()
    %barrier3A_94 = arith.constant 0 : index
    tpu.barrier barrier_id(%barrier3A_94)
    %dma_start3A_95 = arith.constant 0 : i32
    %dma_start3A_96 = tpu.memref_slice %arg13[%dma_start3A_95] : memref<16384xf32, #tpu.memory_space<vmem_shared>> -> memref<16384xf32, #tpu.memory_space<vmem_shared>>
    tpu.enqueue_indirect_dma source(%dma_start3A_96 : memref<16384xf32, #tpu.memory_space<vmem_shared>>) target(%arg9 : memref<1024xf32, #tpu.memory_space<vmem>>) offsets(%arg6 : memref<1024xi32, #tpu.memory_space<vmem>>) semaphore(%arg15 : memref<!tpu.dma_semaphore, #tpu.memory_space<semaphore_mem>>)
    %dma_wait3A_97 = arith.constant 0 : i32
    %dma_wait3A_98 = arith.constant 0 : i32
    %dma_wait3A_99 = tpu.memref_slice %arg10[%dma_wait3A_97, %dma_wait3A_98] : memref<6x1024xf32, #tpu.memory_space<vmem>> -> memref<1x1024xf32, #tpu.memory_space<vmem>>
    %dma_wait3A_100 = tpu.memref_squeeze %dma_wait3A_99 : memref<1x1024xf32, #tpu.memory_space<vmem>> -> memref<1024xf32, #tpu.memory_space<vmem>>
    %dma_wait3A_101 = tpu.memref_slice %arg2[%add3A_9] : memref<196608xf32, #tpu.memory_space<hbm>> -> memref<1024xf32, #tpu.memory_space<hbm>>
    %dma_wait3A_102 = arith.constant 0 : i32
    %dma_wait3A_103 = tpu.memref_slice %arg10[%dma_wait3A_97, %dma_wait3A_102] : memref<6x1024xf32, #tpu.memory_space<vmem>> -> memref<1x1024xf32, #tpu.memory_space<vmem>>
    %dma_wait3A_104 = tpu.memref_squeeze %dma_wait3A_103 : memref<1x1024xf32, #tpu.memory_space<vmem>> -> memref<1024xf32, #tpu.memory_space<vmem>>
    %dma_wait3A_105 = tpu.memref_slice %arg2[%add3A_9] : memref<196608xf32, #tpu.memory_space<hbm>> -> memref<1024xf32, #tpu.memory_space<hbm>>
    tpu.wait_dma2 semaphore(%arg16 : memref<!tpu.dma_semaphore, #tpu.memory_space<semaphore_mem>>) src(%dma_wait3A_105 : memref<1024xf32, #tpu.memory_space<hbm>>) dst(%dma_wait3A_104 : memref<1024xf32, #tpu.memory_space<vmem>>)
    %dma_wait3A_106 = arith.constant 1 : i32
    %dma_wait3A_107 = arith.constant 0 : i32
    %dma_wait3A_108 = tpu.memref_slice %arg10[%dma_wait3A_106, %dma_wait3A_107] : memref<6x1024xf32, #tpu.memory_space<vmem>> -> memref<1x1024xf32, #tpu.memory_space<vmem>>
    %dma_wait3A_109 = tpu.memref_squeeze %dma_wait3A_108 : memref<1x1024xf32, #tpu.memory_space<vmem>> -> memref<1024xf32, #tpu.memory_space<vmem>>
    %dma_wait3A_110 = tpu.memref_slice %arg2[%add3A_21] : memref<196608xf32, #tpu.memory_space<hbm>> -> memref<1024xf32, #tpu.memory_space<hbm>>
    %dma_wait3A_111 = arith.constant 0 : i32
    %dma_wait3A_112 = tpu.memref_slice %arg10[%dma_wait3A_106, %dma_wait3A_111] : memref<6x1024xf32, #tpu.memory_space<vmem>> -> memref<1x1024xf32, #tpu.memory_space<vmem>>
    %dma_wait3A_113 = tpu.memref_squeeze %dma_wait3A_112 : memref<1x1024xf32, #tpu.memory_space<vmem>> -> memref<1024xf32, #tpu.memory_space<vmem>>
    %dma_wait3A_114 = tpu.memref_slice %arg2[%add3A_21] : memref<196608xf32, #tpu.memory_space<hbm>> -> memref<1024xf32, #tpu.memory_space<hbm>>
    tpu.wait_dma2 semaphore(%arg16 : memref<!tpu.dma_semaphore, #tpu.memory_space<semaphore_mem>>) src(%dma_wait3A_114 : memref<1024xf32, #tpu.memory_space<hbm>>) dst(%dma_wait3A_113 : memref<1024xf32, #tpu.memory_space<vmem>>)
    %dma_wait3A_115 = arith.constant 2 : i32
    %dma_wait3A_116 = arith.constant 0 : i32
    %dma_wait3A_117 = tpu.memref_slice %arg10[%dma_wait3A_115, %dma_wait3A_116] : memref<6x1024xf32, #tpu.memory_space<vmem>> -> memref<1x1024xf32, #tpu.memory_space<vmem>>
    %dma_wait3A_118 = tpu.memref_squeeze %dma_wait3A_117 : memref<1x1024xf32, #tpu.memory_space<vmem>> -> memref<1024xf32, #tpu.memory_space<vmem>>
    %dma_wait3A_119 = tpu.memref_slice %arg2[%add3A_33] : memref<196608xf32, #tpu.memory_space<hbm>> -> memref<1024xf32, #tpu.memory_space<hbm>>
    %dma_wait3A_120 = arith.constant 0 : i32
    %dma_wait3A_121 = tpu.memref_slice %arg10[%dma_wait3A_115, %dma_wait3A_120] : memref<6x1024xf32, #tpu.memory_space<vmem>> -> memref<1x1024xf32, #tpu.memory_space<vmem>>
    %dma_wait3A_122 = tpu.memref_squeeze %dma_wait3A_121 : memref<1x1024xf32, #tpu.memory_space<vmem>> -> memref<1024xf32, #tpu.memory_space<vmem>>
    %dma_wait3A_123 = tpu.memref_slice %arg2[%add3A_33] : memref<196608xf32, #tpu.memory_space<hbm>> -> memref<1024xf32, #tpu.memory_space<hbm>>
    tpu.wait_dma2 semaphore(%arg16 : memref<!tpu.dma_semaphore, #tpu.memory_space<semaphore_mem>>) src(%dma_wait3A_123 : memref<1024xf32, #tpu.memory_space<hbm>>) dst(%dma_wait3A_122 : memref<1024xf32, #tpu.memory_space<vmem>>)
    %dma_wait3A_124 = arith.constant 3 : i32
    %dma_wait3A_125 = arith.constant 0 : i32
    %dma_wait3A_126 = tpu.memref_slice %arg10[%dma_wait3A_124, %dma_wait3A_125] : memref<6x1024xf32, #tpu.memory_space<vmem>> -> memref<1x1024xf32, #tpu.memory_space<vmem>>
    %dma_wait3A_127 = tpu.memref_squeeze %dma_wait3A_126 : memref<1x1024xf32, #tpu.memory_space<vmem>> -> memref<1024xf32, #tpu.memory_space<vmem>>
    %dma_wait3A_128 = tpu.memref_slice %arg2[%add3A_45] : memref<196608xf32, #tpu.memory_space<hbm>> -> memref<1024xf32, #tpu.memory_space<hbm>>
    %dma_wait3A_129 = arith.constant 0 : i32
    %dma_wait3A_130 = tpu.memref_slice %arg10[%dma_wait3A_124, %dma_wait3A_129] : memref<6x1024xf32, #tpu.memory_space<vmem>> -> memref<1x1024xf32, #tpu.memory_space<vmem>>
    %dma_wait3A_131 = tpu.memref_squeeze %dma_wait3A_130 : memref<1x1024xf32, #tpu.memory_space<vmem>> -> memref<1024xf32, #tpu.memory_space<vmem>>
    %dma_wait3A_132 = tpu.memref_slice %arg2[%add3A_45] : memref<196608xf32, #tpu.memory_space<hbm>> -> memref<1024xf32, #tpu.memory_space<hbm>>
    tpu.wait_dma2 semaphore(%arg16 : memref<!tpu.dma_semaphore, #tpu.memory_space<semaphore_mem>>) src(%dma_wait3A_132 : memref<1024xf32, #tpu.memory_space<hbm>>) dst(%dma_wait3A_131 : memref<1024xf32, #tpu.memory_space<vmem>>)
    %dma_wait3A_133 = arith.constant 4 : i32
    %dma_wait3A_134 = arith.constant 0 : i32
    %dma_wait3A_135 = tpu.memref_slice %arg10[%dma_wait3A_133, %dma_wait3A_134] : memref<6x1024xf32, #tpu.memory_space<vmem>> -> memref<1x1024xf32, #tpu.memory_space<vmem>>
    %dma_wait3A_136 = tpu.memref_squeeze %dma_wait3A_135 : memref<1x1024xf32, #tpu.memory_space<vmem>> -> memref<1024xf32, #tpu.memory_space<vmem>>
    %dma_wait3A_137 = tpu.memref_slice %arg2[%add3A_57] : memref<196608xf32, #tpu.memory_space<hbm>> -> memref<1024xf32, #tpu.memory_space<hbm>>
    %dma_wait3A_138 = arith.constant 0 : i32
    %dma_wait3A_139 = tpu.memref_slice %arg10[%dma_wait3A_133, %dma_wait3A_138] : memref<6x1024xf32, #tpu.memory_space<vmem>> -> memref<1x1024xf32, #tpu.memory_space<vmem>>
    %dma_wait3A_140 = tpu.memref_squeeze %dma_wait3A_139 : memref<1x1024xf32, #tpu.memory_space<vmem>> -> memref<1024xf32, #tpu.memory_space<vmem>>
    %dma_wait3A_141 = tpu.memref_slice %arg2[%add3A_57] : memref<196608xf32, #tpu.memory_space<hbm>> -> memref<1024xf32, #tpu.memory_space<hbm>>
    tpu.wait_dma2 semaphore(%arg16 : memref<!tpu.dma_semaphore, #tpu.memory_space<semaphore_mem>>) src(%dma_wait3A_141 : memref<1024xf32, #tpu.memory_space<hbm>>) dst(%dma_wait3A_140 : memref<1024xf32, #tpu.memory_space<vmem>>)
    %dma_wait3A_142 = arith.constant 5 : i32
    %dma_wait3A_143 = arith.constant 0 : i32
    %dma_wait3A_144 = tpu.memref_slice %arg10[%dma_wait3A_142, %dma_wait3A_143] : memref<6x1024xf32, #tpu.memory_space<vmem>> -> memref<1x1024xf32, #tpu.memory_space<vmem>>
    %dma_wait3A_145 = tpu.memref_squeeze %dma_wait3A_144 : memref<1x1024xf32, #tpu.memory_space<vmem>> -> memref<1024xf32, #tpu.memory_space<vmem>>
    %dma_wait3A_146 = tpu.memref_slice %arg2[%add3A_69] : memref<196608xf32, #tpu.memory_space<hbm>> -> memref<1024xf32, #tpu.memory_space<hbm>>
    %dma_wait3A_147 = arith.constant 0 : i32
    %dma_wait3A_148 = tpu.memref_slice %arg10[%dma_wait3A_142, %dma_wait3A_147] : memref<6x1024xf32, #tpu.memory_space<vmem>> -> memref<1x1024xf32, #tpu.memory_space<vmem>>
    %dma_wait3A_149 = tpu.memref_squeeze %dma_wait3A_148 : memref<1x1024xf32, #tpu.memory_space<vmem>> -> memref<1024xf32, #tpu.memory_space<vmem>>
    %dma_wait3A_150 = tpu.memref_slice %arg2[%add3A_69] : memref<196608xf32, #tpu.memory_space<hbm>> -> memref<1024xf32, #tpu.memory_space<hbm>>
    tpu.wait_dma2 semaphore(%arg16 : memref<!tpu.dma_semaphore, #tpu.memory_space<semaphore_mem>>) src(%dma_wait3A_150 : memref<1024xf32, #tpu.memory_space<hbm>>) dst(%dma_wait3A_149 : memref<1024xf32, #tpu.memory_space<vmem>>)
    %dma_wait3A_151 = arith.constant 0 : i32
    %dma_wait3A_152 = tpu.memref_slice %arg13[%dma_wait3A_151] : memref<16384xf32, #tpu.memory_space<vmem_shared>> -> memref<16384xf32, #tpu.memory_space<vmem_shared>>
    tpu.wait_indirect_dma semaphore(%arg15 : memref<!tpu.dma_semaphore, #tpu.memory_space<semaphore_mem>>) src(%dma_wait3A_152 : memref<16384xf32, #tpu.memory_space<vmem_shared>>) dst(%arg9 : memref<1024xf32, #tpu.memory_space<vmem>>)
    %broadcast_in_dim3A_153 = arith.constant 0.000000e+00 : f32
    %broadcast_in_dim3A_154 = vector.broadcast %broadcast_in_dim3A_153 : f32 to vector<16xf32>
    %scan3A_155 = arith.constant 1.000000e+00 : f32
    %scan3A_156 = arith.constant 0 : i32
    %scan3A_157 = arith.constant 64 : i32
    %scan3A_158 = arith.addi %scan3A_156, %scan3A_157 : i32
    %scan3A_159 = arith.constant 1 : i32
    %scan3A_160 = scf.for %scan3A_166 = %scan3A_156 to %scan3A_158 step %scan3A_159 iter_args(%scan3A_167 = %broadcast_in_dim3A_154) -> (vector<16xf32>)  : i32 {
      %mul3A_168 = arith.constant 16 : i32
      %mul3A_169 = arith.muli %scan3A_166, %mul3A_168 : i32
      %get3A_170 = arith.constant 0 : i32
      %get3A_171 = arith.index_cast %get3A_170 : i32 to index
      %get3A_172 = arith.index_cast %mul3A_169 : i32 to index
      %get3A_173 = tpu.vector_load %arg10[%get3A_171, %get3A_172] {strides = array<i32>} : memref<6x1024xf32, #tpu.memory_space<vmem>>, vector<16xf32>,
      %get3A_174 = arith.constant 3 : i32
      %get3A_175 = arith.index_cast %get3A_174 : i32 to index
      %get3A_176 = arith.index_cast %mul3A_169 : i32 to index
      %get3A_177 = tpu.vector_load %arg10[%get3A_175, %get3A_176] {strides = array<i32>} : memref<6x1024xf32, #tpu.memory_space<vmem>>, vector<16xf32>,
      %sub3A = arith.subf %get3A_173, %get3A_177 : vector<16xf32>
      %get3A_178 = arith.constant 1 : i32
      %get3A_179 = arith.index_cast %get3A_178 : i32 to index
      %get3A_180 = arith.index_cast %mul3A_169 : i32 to index
      %get3A_181 = tpu.vector_load %arg10[%get3A_179, %get3A_180] {strides = array<i32>} : memref<6x1024xf32, #tpu.memory_space<vmem>>, vector<16xf32>,
      %get3A_182 = arith.constant 4 : i32
      %get3A_183 = arith.index_cast %get3A_182 : i32 to index
      %get3A_184 = arith.index_cast %mul3A_169 : i32 to index
      %get3A_185 = tpu.vector_load %arg10[%get3A_183, %get3A_184] {strides = array<i32>} : memref<6x1024xf32, #tpu.memory_space<vmem>>, vector<16xf32>,
      %sub3A_186 = arith.subf %get3A_181, %get3A_185 : vector<16xf32>
      %get3A_187 = arith.constant 2 : i32
      %get3A_188 = arith.index_cast %get3A_187 : i32 to index
      %get3A_189 = arith.index_cast %mul3A_169 : i32 to index
      %get3A_190 = tpu.vector_load %arg10[%get3A_188, %get3A_189] {strides = array<i32>} : memref<6x1024xf32, #tpu.memory_space<vmem>>, vector<16xf32>,
      %get3A_191 = arith.constant 5 : i32
      %get3A_192 = arith.index_cast %get3A_191 : i32 to index
      %get3A_193 = arith.index_cast %mul3A_169 : i32 to index
      %get3A_194 = tpu.vector_load %arg10[%get3A_192, %get3A_193] {strides = array<i32>} : memref<6x1024xf32, #tpu.memory_space<vmem>>, vector<16xf32>,
      %sub3A_195 = arith.subf %get3A_190, %get3A_194 : vector<16xf32>
      %mul3A_196 = arith.mulf %sub3A, %sub3A : vector<16xf32>
      %mul3A_197 = arith.mulf %sub3A_186, %sub3A_186 : vector<16xf32>
      %add3A_198 = arith.addf %mul3A_196, %mul3A_197 : vector<16xf32>
      %mul3A_199 = arith.mulf %sub3A_195, %sub3A_195 : vector<16xf32>
      %add3A_200 = arith.addf %add3A_198, %mul3A_199 : vector<16xf32>
      %max3A = arith.constant 1.000000e-30 : f32
      %max3A_201 = vector.broadcast %max3A : f32 to vector<16xf32>
      %max3A_202 = arith.maximumf %add3A_200, %max3A_201 : vector<16xf32>
      %max3A_203 = arith.constant 1.000000e-30 : f32
      %max3A_204 = vector.broadcast %max3A_203 : f32 to vector<16xf32>
      %max3A_205 = arith.maximumf %add3A_200, %max3A_204 : vector<16xf32>
      %bitcast3A = vector.bitcast %max3A_205 : vector<16xf32> to vector<16xi32>
      %shift_right_arithmetic3A = arith.constant 1 : i32
      %shift_right_arithmetic3A_206 = vector.broadcast %shift_right_arithmetic3A : i32 to vector<16xi32>
      %shift_right_arithmetic3A_207 = arith.shrsi %bitcast3A, %shift_right_arithmetic3A_206 : vector<16xi32>
      %sub3A_208 = arith.constant 1597463007 : i32
      %sub3A_209 = vector.broadcast %sub3A_208 : i32 to vector<16xi32>
      %sub3A_210 = arith.subi %sub3A_209, %shift_right_arithmetic3A_207 : vector<16xi32>
      %bitcast3A_211 = vector.bitcast %sub3A_210 : vector<16xi32> to vector<16xf32>
      %mul3A_212 = arith.constant 5.000000e-01 : f32
      %mul3A_213 = vector.broadcast %mul3A_212 : f32 to vector<16xf32>
      %mul3A_214 = arith.mulf %mul3A_213, %max3A_205 : vector<16xf32>
      %mul3A_215 = arith.mulf %mul3A_214, %bitcast3A_211 : vector<16xf32>
      %mul3A_216 = arith.mulf %mul3A_215, %bitcast3A_211 : vector<16xf32>
      %sub3A_217 = arith.constant 1.500000e+00 : f32
      %sub3A_218 = vector.broadcast %sub3A_217 : f32 to vector<16xf32>
      %sub3A_219 = arith.subf %sub3A_218, %mul3A_216 : vector<16xf32>
      %mul3A_220 = arith.mulf %bitcast3A_211, %sub3A_219 : vector<16xf32>
      %mul3A_221 = arith.constant 5.000000e-01 : f32
      %mul3A_222 = vector.broadcast %mul3A_221 : f32 to vector<16xf32>
      %mul3A_223 = arith.mulf %mul3A_222, %max3A_205 : vector<16xf32>
      %mul3A_224 = arith.mulf %mul3A_223, %mul3A_220 : vector<16xf32>
      %mul3A_225 = arith.mulf %mul3A_224, %mul3A_220 : vector<16xf32>
      %sub3A_226 = arith.constant 1.500000e+00 : f32
      %sub3A_227 = vector.broadcast %sub3A_226 : f32 to vector<16xf32>
      %sub3A_228 = arith.subf %sub3A_227, %mul3A_225 : vector<16xf32>
      %mul3A_229 = arith.mulf %mul3A_220, %sub3A_228 : vector<16xf32>
      %mul3A_230 = arith.constant 5.000000e-01 : f32
      %mul3A_231 = vector.broadcast %mul3A_230 : f32 to vector<16xf32>
      %mul3A_232 = arith.mulf %mul3A_231, %max3A_205 : vector<16xf32>
      %mul3A_233 = arith.mulf %mul3A_232, %mul3A_229 : vector<16xf32>
      %mul3A_234 = arith.mulf %mul3A_233, %mul3A_229 : vector<16xf32>
      %sub3A_235 = arith.constant 1.500000e+00 : f32
      %sub3A_236 = vector.broadcast %sub3A_235 : f32 to vector<16xf32>
      %sub3A_237 = arith.subf %sub3A_236, %mul3A_234 : vector<16xf32>
      %mul3A_238 = arith.mulf %mul3A_229, %sub3A_237 : vector<16xf32>
      %mul3A_239 = arith.mulf %max3A_202, %mul3A_238 : vector<16xf32>
      %neg3A = arith.constant 0.000000e+00 : f32
      %neg3A_240 = arith.constant 4.000000e+01 : f32
      %neg3A_241 = arith.subf %neg3A, %neg3A_240 : f32
      %mul3A_242 = vector.broadcast %neg3A_241 : f32 to vector<16xf32>
      %mul3A_243 = arith.mulf %mul3A_242, %mul3A_239 : vector<16xf32>
      %exp3A = math.exp %mul3A_243 : vector<16xf32>
      %mul3A_244 = vector.broadcast %scan3A_155 : f32 to vector<16xf32>
      %mul3A_245 = arith.mulf %mul3A_244, %exp3A : vector<16xf32>
      %get3A_246 = arith.index_cast %mul3A_169 : i32 to index
      %get3A_247 = tpu.vector_load %arg9[%get3A_246] {strides = array<i32>} : memref<1024xf32, #tpu.memory_space<vmem>>, vector<16xf32>,
      %max3A_248 = arith.constant 1.000000e-30 : f32
      %max3A_249 = vector.broadcast %max3A_248 : f32 to vector<16xf32>
      %max3A_250 = arith.maximumf %get3A_247, %max3A_249 : vector<16xf32>
      %bitcast3A_251 = vector.bitcast %max3A_250 : vector<16xf32> to vector<16xi32>
      %shift_right_arithmetic3A_252 = arith.constant 1 : i32
      %shift_right_arithmetic3A_253 = vector.broadcast %shift_right_arithmetic3A_252 : i32 to vector<16xi32>
      %shift_right_arithmetic3A_254 = arith.shrsi %bitcast3A_251, %shift_right_arithmetic3A_253 : vector<16xi32>
      %sub3A_255 = arith.constant 1597463007 : i32
      %sub3A_256 = vector.broadcast %sub3A_255 : i32 to vector<16xi32>
      %sub3A_257 = arith.subi %sub3A_256, %shift_right_arithmetic3A_254 : vector<16xi32>
      %bitcast3A_258 = vector.bitcast %sub3A_257 : vector<16xi32> to vector<16xf32>
      %mul3A_259 = arith.constant 5.000000e-01 : f32
      %mul3A_260 = vector.broadcast %mul3A_259 : f32 to vector<16xf32>
      %mul3A_261 = arith.mulf %mul3A_260, %max3A_250 : vector<16xf32>
      %mul3A_262 = arith.mulf %mul3A_261, %bitcast3A_258 : vector<16xf32>
      %mul3A_263 = arith.mulf %mul3A_262, %bitcast3A_258 : vector<16xf32>
      %sub3A_264 = arith.constant 1.500000e+00 : f32
      %sub3A_265 = vector.broadcast %sub3A_264 : f32 to vector<16xf32>
      %sub3A_266 = arith.subf %sub3A_265, %mul3A_263 : vector<16xf32>
      %mul3A_267 = arith.mulf %bitcast3A_258, %sub3A_266 : vector<16xf32>
      %mul3A_268 = arith.constant 5.000000e-01 : f32
      %mul3A_269 = vector.broadcast %mul3A_268 : f32 to vector<16xf32>
      %mul3A_270 = arith.mulf %mul3A_269, %max3A_250 : vector<16xf32>
      %mul3A_271 = arith.mulf %mul3A_270, %mul3A_267 : vector<16xf32>
      %mul3A_272 = arith.mulf %mul3A_271, %mul3A_267 : vector<16xf32>
      %sub3A_273 = arith.constant 1.500000e+00 : f32
      %sub3A_274 = vector.broadcast %sub3A_273 : f32 to vector<16xf32>
      %sub3A_275 = arith.subf %sub3A_274, %mul3A_272 : vector<16xf32>
      %mul3A_276 = arith.mulf %mul3A_267, %sub3A_275 : vector<16xf32>
      %mul3A_277 = arith.constant 5.000000e-01 : f32
      %mul3A_278 = vector.broadcast %mul3A_277 : f32 to vector<16xf32>
      %mul3A_279 = arith.mulf %mul3A_278, %max3A_250 : vector<16xf32>
      %mul3A_280 = arith.mulf %mul3A_279, %mul3A_276 : vector<16xf32>
      %mul3A_281 = arith.mulf %mul3A_280, %mul3A_276 : vector<16xf32>
      %sub3A_282 = arith.constant 1.500000e+00 : f32
      %sub3A_283 = vector.broadcast %sub3A_282 : f32 to vector<16xf32>
      %sub3A_284 = arith.subf %sub3A_283, %mul3A_281 : vector<16xf32>
      %mul3A_285 = arith.mulf %mul3A_276, %sub3A_284 : vector<16xf32>
      %mul3A_286 = arith.mulf %mul3A_245, %mul3A_285 : vector<16xf32>
      %sub3A_287 = arith.constant 1.000000e+00 : f32
      %sub3A_288 = vector.broadcast %sub3A_287 : f32 to vector<16xf32>
      %sub3A_289 = arith.subf %sub3A_288, %mul3A_286 : vector<16xf32>
      %abs3A = math.absf %sub3A_289 : vector<16xf32>
      %add3A_290 = arith.addf %scan3A_167, %abs3A : vector<16xf32>
      scf.yield %add3A_290 : vector<16xf32>
    }
    %scan3A_161 = arith.constant 64 : i32
    %swap3A = arith.constant 0 : index
    %swap3A_162 = tpu.vector_load %arg11[%swap3A] {strides = array<i32>} : memref<16xf32, #tpu.memory_space<vmem>>, vector<16xf32>,
    tpu.vector_store %arg11[%swap3A], %scan3A_160 {strides = array<i32>} : memref<16xf32, #tpu.memory_space<vmem>>, vector<16xf32>,
    "tpu.region"() ({
      %run_scoped3A = tpu.sem_alloc : memref<!tpu.dma_semaphore, #tpu.memory_space<semaphore_mem>>
      %dma_start3A_166 = arith.constant 0 : i32
      %dma_start3A_167 = tpu.memref_slice %arg14[%arg1, %dma_start3A_166] : memref<16x16xf32, #tpu.memory_space<vmem_shared>> -> memref<1x16xf32, #tpu.memory_space<vmem_shared>>
      %dma_start3A_168 = tpu.memref_squeeze %dma_start3A_167 : memref<1x16xf32, #tpu.memory_space<vmem_shared>> -> memref<16xf32, #tpu.memory_space<vmem_shared>>
      %dma_start3A_169 = arith.constant 0 : i32
      %dma_start3A_170 = tpu.memref_slice %arg14[%arg1, %dma_start3A_169] : memref<16x16xf32, #tpu.memory_space<vmem_shared>> -> memref<1x16xf32, #tpu.memory_space<vmem_shared>>
      %dma_start3A_171 = tpu.memref_squeeze %dma_start3A_170 : memref<1x16xf32, #tpu.memory_space<vmem_shared>> -> memref<16xf32, #tpu.memory_space<vmem_shared>>
      tpu.enqueue_dma source(%arg11 : memref<16xf32, #tpu.memory_space<vmem>>) target(%dma_start3A_171 : memref<16xf32, #tpu.memory_space<vmem_shared>>) target_semaphore(%run_scoped3A : memref<!tpu.dma_semaphore, #tpu.memory_space<semaphore_mem>>)
      %dma_wait3A_172 = arith.constant 0 : i32
      %dma_wait3A_173 = tpu.memref_slice %arg14[%arg1, %dma_wait3A_172] : memref<16x16xf32, #tpu.memory_space<vmem_shared>> -> memref<1x16xf32, #tpu.memory_space<vmem_shared>>
      %dma_wait3A_174 = tpu.memref_squeeze %dma_wait3A_173 : memref<1x16xf32, #tpu.memory_space<vmem_shared>> -> memref<16xf32, #tpu.memory_space<vmem_shared>>
      %dma_wait3A_175 = arith.constant 0 : i32
      %dma_wait3A_176 = tpu.memref_slice %arg14[%arg1, %dma_wait3A_175] : memref<16x16xf32, #tpu.memory_space<vmem_shared>> -> memref<1x16xf32, #tpu.memory_space<vmem_shared>>
      %dma_wait3A_177 = tpu.memref_squeeze %dma_wait3A_176 : memref<1x16xf32, #tpu.memory_space<vmem_shared>> -> memref<16xf32, #tpu.memory_space<vmem_shared>>
      tpu.wait_dma2 semaphore(%run_scoped3A : memref<!tpu.dma_semaphore, #tpu.memory_space<semaphore_mem>>) src(%arg11 : memref<16xf32, #tpu.memory_space<vmem>>) dst(%dma_wait3A_177 : memref<16xf32, #tpu.memory_space<vmem_shared>>)
      tpu.yield
    }) : () -> ()
    %barrier3A_163 = arith.constant 0 : index
    tpu.barrier barrier_id(%barrier3A_163)
    %eq3A = arith.constant 0 : i32
    %eq3A_164 = arith.cmpi eq, %arg1, %eq3A : i32
    %convert_element_type3A = arith.extui %eq3A_164 : i1 to i32
    %cond3A = arith.constant 0 : i32
    %cond3A_165 = arith.cmpi ne, %convert_element_type3A, %cond3A : i32
    scf.if %cond3A_165 {
      "tpu.region"() ({
        %run_scoped3A = tpu.sem_alloc : memref<!tpu.dma_semaphore, #tpu.memory_space<semaphore_mem>>
        tpu.enqueue_dma source(%arg14 : memref<16x16xf32, #tpu.memory_space<vmem_shared>>) target(%arg12 : memref<16x16xf32, #tpu.memory_space<vmem>>) target_semaphore(%run_scoped3A : memref<!tpu.dma_semaphore, #tpu.memory_space<semaphore_mem>>)
        tpu.wait_dma2 semaphore(%run_scoped3A : memref<!tpu.dma_semaphore, #tpu.memory_space<semaphore_mem>>) src(%arg14 : memref<16x16xf32, #tpu.memory_space<vmem_shared>>) dst(%arg12 : memref<16x16xf32, #tpu.memory_space<vmem>>)
        tpu.yield
      }) : () -> ()
      %get3A_166 = arith.constant 0 : i32
      %get3A_167 = arith.index_cast %get3A_166 : i32 to index
      %get3A_168 = arith.constant 0 : index
      %get3A_169 = tpu.vector_load %arg12[%get3A_167, %get3A_168] {strides = array<i32>} : memref<16x16xf32, #tpu.memory_space<vmem>>, vector<16xf32>,
      %get3A_170 = arith.constant 1 : i32
      %get3A_171 = arith.index_cast %get3A_170 : i32 to index
      %get3A_172 = arith.constant 0 : index
      %get3A_173 = tpu.vector_load %arg12[%get3A_171, %get3A_172] {strides = array<i32>} : memref<16x16xf32, #tpu.memory_space<vmem>>, vector<16xf32>,
      %add3A_174 = arith.addf %get3A_169, %get3A_173 : vector<16xf32>
      %get3A_175 = arith.constant 2 : i32
      %get3A_176 = arith.index_cast %get3A_175 : i32 to index
      %get3A_177 = arith.constant 0 : index
      %get3A_178 = tpu.vector_load %arg12[%get3A_176, %get3A_177] {strides = array<i32>} : memref<16x16xf32, #tpu.memory_space<vmem>>, vector<16xf32>,
      %add3A_179 = arith.addf %add3A_174, %get3A_178 : vector<16xf32>
      %get3A_180 = arith.constant 3 : i32
      %get3A_181 = arith.index_cast %get3A_180 : i32 to index
      %get3A_182 = arith.constant 0 : index
      %get3A_183 = tpu.vector_load %arg12[%get3A_181, %get3A_182] {strides = array<i32>} : memref<16x16xf32, #tpu.memory_space<vmem>>, vector<16xf32>,
      %add3A_184 = arith.addf %add3A_179, %get3A_183 : vector<16xf32>
      %get3A_185 = arith.constant 4 : i32
      %get3A_186 = arith.index_cast %get3A_185 : i32 to index
      %get3A_187 = arith.constant 0 : index
      %get3A_188 = tpu.vector_load %arg12[%get3A_186, %get3A_187] {strides = array<i32>} : memref<16x16xf32, #tpu.memory_space<vmem>>, vector<16xf32>,
      %add3A_189 = arith.addf %add3A_184, %get3A_188 : vector<16xf32>
      %get3A_190 = arith.constant 5 : i32
      %get3A_191 = arith.index_cast %get3A_190 : i32 to index
      %get3A_192 = arith.constant 0 : index
      %get3A_193 = tpu.vector_load %arg12[%get3A_191, %get3A_192] {strides = array<i32>} : memref<16x16xf32, #tpu.memory_space<vmem>>, vector<16xf32>,
      %add3A_194 = arith.addf %add3A_189, %get3A_193 : vector<16xf32>
      %get3A_195 = arith.constant 6 : i32
      %get3A_196 = arith.index_cast %get3A_195 : i32 to index
      %get3A_197 = arith.constant 0 : index
      %get3A_198 = tpu.vector_load %arg12[%get3A_196, %get3A_197] {strides = array<i32>} : memref<16x16xf32, #tpu.memory_space<vmem>>, vector<16xf32>,
      %add3A_199 = arith.addf %add3A_194, %get3A_198 : vector<16xf32>
      %get3A_200 = arith.constant 7 : i32
      %get3A_201 = arith.index_cast %get3A_200 : i32 to index
      %get3A_202 = arith.constant 0 : index
      %get3A_203 = tpu.vector_load %arg12[%get3A_201, %get3A_202] {strides = array<i32>} : memref<16x16xf32, #tpu.memory_space<vmem>>, vector<16xf32>,
      %add3A_204 = arith.addf %add3A_199, %get3A_203 : vector<16xf32>
      %get3A_205 = arith.constant 8 : i32
      %get3A_206 = arith.index_cast %get3A_205 : i32 to index
      %get3A_207 = arith.constant 0 : index
      %get3A_208 = tpu.vector_load %arg12[%get3A_206, %get3A_207] {strides = array<i32>} : memref<16x16xf32, #tpu.memory_space<vmem>>, vector<16xf32>,
      %add3A_209 = arith.addf %add3A_204, %get3A_208 : vector<16xf32>
      %get3A_210 = arith.constant 9 : i32
      %get3A_211 = arith.index_cast %get3A_210 : i32 to index
      %get3A_212 = arith.constant 0 : index
      %get3A_213 = tpu.vector_load %arg12[%get3A_211, %get3A_212] {strides = array<i32>} : memref<16x16xf32, #tpu.memory_space<vmem>>, vector<16xf32>,
      %add3A_214 = arith.addf %add3A_209, %get3A_213 : vector<16xf32>
      %get3A_215 = arith.constant 10 : i32
      %get3A_216 = arith.index_cast %get3A_215 : i32 to index
      %get3A_217 = arith.constant 0 : index
      %get3A_218 = tpu.vector_load %arg12[%get3A_216, %get3A_217] {strides = array<i32>} : memref<16x16xf32, #tpu.memory_space<vmem>>, vector<16xf32>,
      %add3A_219 = arith.addf %add3A_214, %get3A_218 : vector<16xf32>
      %get3A_220 = arith.constant 11 : i32
      %get3A_221 = arith.index_cast %get3A_220 : i32 to index
      %get3A_222 = arith.constant 0 : index
      %get3A_223 = tpu.vector_load %arg12[%get3A_221, %get3A_222] {strides = array<i32>} : memref<16x16xf32, #tpu.memory_space<vmem>>, vector<16xf32>,
      %add3A_224 = arith.addf %add3A_219, %get3A_223 : vector<16xf32>
      %get3A_225 = arith.constant 12 : i32
      %get3A_226 = arith.index_cast %get3A_225 : i32 to index
      %get3A_227 = arith.constant 0 : index
      %get3A_228 = tpu.vector_load %arg12[%get3A_226, %get3A_227] {strides = array<i32>} : memref<16x16xf32, #tpu.memory_space<vmem>>, vector<16xf32>,
      %add3A_229 = arith.addf %add3A_224, %get3A_228 : vector<16xf32>
      %get3A_230 = arith.constant 13 : i32
      %get3A_231 = arith.index_cast %get3A_230 : i32 to index
      %get3A_232 = arith.constant 0 : index
      %get3A_233 = tpu.vector_load %arg12[%get3A_231, %get3A_232] {strides = array<i32>} : memref<16x16xf32, #tpu.memory_space<vmem>>, vector<16xf32>,
      %add3A_234 = arith.addf %add3A_229, %get3A_233 : vector<16xf32>
      %get3A_235 = arith.constant 14 : i32
      %get3A_236 = arith.index_cast %get3A_235 : i32 to index
      %get3A_237 = arith.constant 0 : index
      %get3A_238 = tpu.vector_load %arg12[%get3A_236, %get3A_237] {strides = array<i32>} : memref<16x16xf32, #tpu.memory_space<vmem>>, vector<16xf32>,
      %add3A_239 = arith.addf %add3A_234, %get3A_238 : vector<16xf32>
      %get3A_240 = arith.constant 15 : i32
      %get3A_241 = arith.index_cast %get3A_240 : i32 to index
      %get3A_242 = arith.constant 0 : index
      %get3A_243 = tpu.vector_load %arg12[%get3A_241, %get3A_242] {strides = array<i32>} : memref<16x16xf32, #tpu.memory_space<vmem>>, vector<16xf32>,
      %add3A_244 = arith.addf %add3A_239, %get3A_243 : vector<16xf32>
      %reduce_sum3A = arith.constant true
      %reduce_sum3A_245 = vector.broadcast %reduce_sum3A : i1 to vector<16xi1>
      %reduce_sum3A_246 = tpu.scan <sum>, %add3A_244 masked %reduce_sum3A_245 : vector<16xf32>, vector<16xi1> -> vector<16xf32>
      %reduce_sum3A_247 = vector.extract %reduce_sum3A_246[15] : f32 from vector<16xf32>
      %mul3A_248 = arith.mulf %reduce_sum3A_247, %squeeze3A : f32
      %eq3A_249 = arith.constant 0 : i32
      %eq3A_250 = vector.broadcast %eq3A_249 : i32 to vector<16xi32>
      %eq3A_251 = arith.cmpi eq, %iota3A, %eq3A_250 : vector<16xi32>
      %jit3A = arith.constant 0.000000e+00 : f32
      %broadcast_in_dim3A_252 = vector.broadcast %mul3A_248 : f32 to vector<16xf32>
      %broadcast_in_dim3A_253 = vector.broadcast %jit3A : f32 to vector<16xf32>
      %select_n3A = arith.select %eq3A_251, %broadcast_in_dim3A_252, %broadcast_in_dim3A_253 : vector<16xi1>, vector<16xf32>
      %swap3A_254 = arith.constant 0 : index
      %swap3A_255 = tpu.vector_load %arg11[%swap3A_254] {strides = array<i32>} : memref<16xf32, #tpu.memory_space<vmem>>, vector<16xf32>,
      tpu.vector_store %arg11[%swap3A_254], %select_n3A {strides = array<i32>} : memref<16xf32, #tpu.memory_space<vmem>>, vector<16xf32>,
      "tpu.region"() ({
        %run_scoped3A = tpu.sem_alloc : memref<!tpu.dma_semaphore, #tpu.memory_space<semaphore_mem>>
        %dma_start3A_256 = arith.constant 0 : i32
        %dma_start3A_257 = tpu.memref_slice %arg5[%arg0, %dma_start3A_256] : memref<2x16xf32, #tpu.memory_space<hbm>> -> memref<1x16xf32, #tpu.memory_space<hbm>>
        %dma_start3A_258 = tpu.memref_squeeze %dma_start3A_257 : memref<1x16xf32, #tpu.memory_space<hbm>> -> memref<16xf32, #tpu.memory_space<hbm>>
        %dma_start3A_259 = arith.constant 0 : i32
        %dma_start3A_260 = tpu.memref_slice %arg5[%arg0, %dma_start3A_259] : memref<2x16xf32, #tpu.memory_space<hbm>> -> memref<1x16xf32, #tpu.memory_space<hbm>>
        %dma_start3A_261 = tpu.memref_squeeze %dma_start3A_260 : memref<1x16xf32, #tpu.memory_space<hbm>> -> memref<16xf32, #tpu.memory_space<hbm>>
        tpu.enqueue_dma source(%arg11 : memref<16xf32, #tpu.memory_space<vmem>>) target(%dma_start3A_261 : memref<16xf32, #tpu.memory_space<hbm>>) target_semaphore(%run_scoped3A : memref<!tpu.dma_semaphore, #tpu.memory_space<semaphore_mem>>)
        %dma_wait3A_262 = arith.constant 0 : i32
        %dma_wait3A_263 = tpu.memref_slice %arg5[%arg0, %dma_wait3A_262] : memref<2x16xf32, #tpu.memory_space<hbm>> -> memref<1x16xf32, #tpu.memory_space<hbm>>
        %dma_wait3A_264 = tpu.memref_squeeze %dma_wait3A_263 : memref<1x16xf32, #tpu.memory_space<hbm>> -> memref<16xf32, #tpu.memory_space<hbm>>
        %dma_wait3A_265 = arith.constant 0 : i32
        %dma_wait3A_266 = tpu.memref_slice %arg5[%arg0, %dma_wait3A_265] : memref<2x16xf32, #tpu.memory_space<hbm>> -> memref<1x16xf32, #tpu.memory_space<hbm>>
        %dma_wait3A_267 = tpu.memref_squeeze %dma_wait3A_266 : memref<1x16xf32, #tpu.memory_space<hbm>> -> memref<16xf32, #tpu.memory_space<hbm>>
        tpu.wait_dma2 semaphore(%run_scoped3A : memref<!tpu.dma_semaphore, #tpu.memory_space<semaphore_mem>>) src(%arg11 : memref<16xf32, #tpu.memory_space<vmem>>) dst(%dma_wait3A_267 : memref<16xf32, #tpu.memory_space<hbm>>)
        tpu.yield
      }) : () -> ()
    } else {
    }
    return
  }
}

</mosaic_0001>

<sc_bundles>
// kernel: kernel.3.cloned.1.call-start
scs
__scs_entry_jumppad:
0x0: {  	(pc) =	sbr.rel $0x88, $3  }
0x1: {  	(tag) =	ssettag $0x0;
	lr =	simm.s32 $0x1  }
0x2: {  	[smem:$0x3F9B] =	sst lr;
	_ =	strace $0xD0000000  }
0x3: {  	_ = 	snop  }
0x4: {  	_ = 	snop  }
0x5: {  	_ = 	snop  }
0x6: {  	_ = 	snop  }
0x7: {  	_ = 	snop  }
__scs_overlays_trampoline_lowered:
0x8: {  	[smem:$0x3FAA] =	sst s0  }
0x9: {  	[smem:$0x3FAB] =	sst s1  }
0xa: {  	[smem:$0x3FAC] =	sst s2  }
0xb: {  	[smem:$0x3FAD] =	sst s3  }
0xc: {  	[smem:$0x3FAE] =	sst s4  }
0xd: {  	[smem:$0x3FAF] =	sst s5  }
0xe: {  	[smem:$0x3FB0] =	sst s6  }
0xf: {  	[smem:$0x3FB1] =	sst s7  }
0x10: {  	[smem:$0x3FB2] =	sst s8  }
0x11: {  	[smem:$0x3FB3] =	sst s9;
	s0 =	simm.s32 @!p0 $0x0  }
0x12: {  	s1 =	sld [smem:$0x3F99];
	s0 =	simm.s32 @p0 $0x1  }
0x13: {  	[smem:$0x3FB4] =	sst s0;
	s0 =	simm.s32 @!p1 $0x0  }
0x14: {  	s2 =	sld [smem:$0x3F98];
	s0 =	simm.s32 @p1 $0x1  }
0x15: {  	[smem:$0x3FB5] =	sst s0;
	s0 =	simm.s32 @!p2 $0x0  }
0x16: {  	s3 =	sld [smem:$0x3FDB];
	s0 =	simm.s32 @p2 $0x1  }
0x17: {  	s4 =	simm.s32 $0x1BF5;
	[smem:$0x3FB7] =	sst s0  }
0x18: {  	s0 =	sld [smem:$0x3F9A];
	_ =	swait.ge [sflag:s4], $0x0  }
0x19: {  	s7 =	sld [smem:$0x3F9B]  }
0x1a: {  	s8 =	sadd.s32 $0xFFFFE003, lr  }
0x1b: {  	s9 =	sadd.s32 $0xFFFFFEF7, lr;
	s5 =	simm.s32 $0xFFFFFFFF;
	p2 =	slt.u32 s8, $0xFFFFF086  }
0x1c: {  	p1 =	slt.u32 s9, $0xF7A;
	s5 =	simm.s32 @!p2 $0x0  }
0x1d: {  	s5 =	simm.s32 @p1 $0x1;
	p0 =	seq.s32 s7, s2  }
0x1e: {  	s7 =	smul.u32 @!p0 $0xF7A, s2;
	p2 =	seq.s32 @!p0 s5, $0x0  }
0x1f: {  	s9 =	smul.u32 $0xF7A, s1;
	s8 =	simm.s32 @!p0 $0x1BF5;
	p2 =	por !p2, p0  }
0x20: {  	[sflag:s8] =	ssyncset.s32 @!p0 $0xFFFFF086;
	s6 =	sadd.s32 @!p0 s3, s7;
	s7 =	simm.s32 @!p0 $0x108  }
0x21: {  	s3 =	sadd.s32 s3, s9;
	s6 =	sadd.s32 @!p0 $0x88, s6;
	s7 =	simm.s32 @p2 $0x1082  }
0x22: {  	[simem:s7], [sflag:s8] =	dma.local @!p0 [hbm:s6], $0xF7A  }
0x23: {  	s9 =	sor.u32 $0xD0000000, s2;
	s6 =	simm.s32 $0x108;
	_ =	swait.ge @!p0 [sflag:s8], $0x0  }
0x24: {  	s3 =	sadd.s32 $0x88, s3;
	s6 =	simm.s32 @!p1 $0x1082;
	[sflag:s4] =	ssyncset.s32 $0xFFFFF086  }
0x25: {  	[simem:s6], [sflag:s4] =	dma.local [hbm:s3], $0xF7A  }
0x26: {  	[smem:$0x3F9B] =	sst s1;
	(tag) =	ssettag s2;
	_ =	strace s9  }
0x27: {  	s1 =	sld [smem:$0x3FAB]  }
0x28: {  	s2 =	sld [smem:$0x3FAC]  }
0x29: {  	s4 =	sld [smem:$0x3FAE]  }
0x2a: {  	p0 =	seq.s32 s5, $0x0;
	s5 =	sld [smem:$0x3FAF]  }
0x2b: {  	s6 =	sld [smem:$0x3FB0]  }
0x2c: {  	s7 =	sld [smem:$0x3FB1]  }
0x2d: {  	s3 =	simm.s32 $0x108;
	s8 =	sld [smem:$0x3FB2]  }
0x2e: {  	s3 =	simm.s32 @!p0 $0x1082;
	s9 =	sld [smem:$0x3FB3]  }
0x2f: {  	lr =	sadd.s32 s0, s3;
	s0 =	sld [smem:$0x3FAA]  }
0x30: {  	s3 =	sld [smem:$0x3FAD]  }
0x31: {  	[smem:$0x3FB6] =	sst s10  }
0x32: {  	s10 =	sld [smem:$0x3FB4];
	_ =	sdelay $0x3  }
0x33: {  	p0 =	seq.s32 s10, $0x1;
	s10 =	sld [smem:$0x3FB6];
	_ =	sdelay $0x3  }
0x34: {  	[smem:$0x3FB6] =	sst s10  }
0x35: {  	s10 =	sld [smem:$0x3FB5];
	_ =	sdelay $0x3  }
0x36: {  	p1 =	seq.s32 s10, $0x1;
	s10 =	sld [smem:$0x3FB6];
	_ =	sdelay $0x3  }
0x37: {  	[smem:$0x3FB6] =	sst s10  }
0x38: {  	s10 =	sld [smem:$0x3FB7]  }
0x39: {  	_ = 	snop;
	(pc) =	sbr.ind lr, $3  }
0x3a: {  	_ = 	snop  }
0x3b: {  	_ = 	snop  }
0x3c: {  	p2 =	seq.s32 s10, $0x1;
	s10 =	sld [smem:$0x3FB6]  }
0x3d: {  	_ =	shalt  }
0x3e: {  	_ =	shalt  }
0x3f: {  	_ =	shalt  }
0x40: {  	_ =	shalt  }
0x41: {  	_ =	shalt  }
0x42: {  	_ =	shalt  }
0x43: {  	_ =	shalt  }
0x44: {  	_ =	shalt  }
0x45: {  	_ =	shalt  }
0x46: {  	_ =	shalt  }
0x47: {  	_ =	shalt  }
0x48: {  	_ =	shalt  }
0x49: {  	_ =	shalt  }
0x4a: {  	_ =	shalt  }
0x4b: {  	_ =	shalt  }
0x4c: {  	_ =	shalt  }
0x4d: {  	_ =	shalt  }
0x4e: {  	_ =	shalt  }
0x4f: {  	_ =	shalt  }
0x50: {  	_ =	shalt  }
0x51: {  	_ =	shalt  }
0x52: {  	_ =	shalt  }
0x53: {  	_ =	shalt  }
0x54: {  	_ =	shalt  }
0x55: {  	_ =	shalt  }
0x56: {  	_ =	shalt  }
0x57: {  	_ =	shalt  }
0x58: {  	_ =	shalt  }
0x59: {  	_ =	shalt  }
0x5a: {  	_ =	shalt  }
0x5b: {  	_ =	shalt  }
0x5c: {  	_ =	shalt  }
0x5d: {  	_ =	shalt  }
0x5e: {  	_ =	shalt  }
0x5f: {  	_ =	shalt  }
0x60: {  	_ =	shalt  }
0x61: {  	_ =	shalt  }
0x62: {  	_ =	shalt  }
0x63: {  	_ =	shalt  }
0x64: {  	_ =	shalt  }
0x65: {  	_ =	shalt  }
0x66: {  	_ =	shalt  }
0x67: {  	_ =	shalt  }
0x68: {  	_ =	shalt  }
0x69: {  	_ =	shalt  }
0x6a: {  	_ =	shalt  }
0x6b: {  	_ =	shalt  }
0x6c: {  	_ =	shalt  }
0x6d: {  	_ =	shalt  }
0x6e: {  	_ =	shalt  }
0x6f: {  	_ =	shalt  }
0x70: {  	_ =	shalt  }
0x71: {  	_ =	shalt  }
0x72: {  	_ =	shalt  }
0x73: {  	_ =	shalt  }
0x74: {  	_ =	shalt  }
0x75: {  	_ =	shalt  }
0x76: {  	_ =	shalt  }
0x77: {  	_ =	shalt  }
0x78: {  	_ =	shalt  }
0x79: {  	_ =	shalt  }
0x7a: {  	_ =	shalt  }
0x7b: {  	_ =	shalt  }
0x7c: {  	_ =	shalt  }
0x7d: {  	_ =	shalt  }
0x7e: {  	_ =	shalt  }
0x7f: {  	_ =	shalt  }
0x80: {  	_ =	shalt  }
0x81: {  	_ =	shalt  }
0x82: {  	_ =	shalt  }
0x83: {  	_ =	shalt  }
0x84: {  	_ =	shalt  }
0x85: {  	_ =	shalt  }
0x86: {  	_ =	shalt  }
0x87: {  	_ =	shalt  }
.Lfunc_end0:
.L_simem_size_0:
called_computation_lowered:
.L_overlay_start_0:
0x88: {  	s2 =	sld [smem:$0x3FD9]  }
0x89: {  	s3 =	sld [smem:$0x3FFE];
	_ =	sdelay $0x1  }
0x8a: {  	s1 =	srdreg.scid  }
0x8b: {  	s0 =	sand.u32 $0x1, s1  }
0x8c: {  	s17 =	sshll.u32 s0, $0xA;
	s2 =	sadd.s32 s3, s2  }
0x8d: {  	s2 =	sadd.s32 s2, s17  }
0x8e: {  	[smem:$0x3FC2] =	sst s2  }
0x8f: {  	_ = 	snop  }
0x90: {  	s2 =	sld [smem:$0x3FD0];
	(tm) =	ssettm $0x1  }
0x91: {  	s18 =	sld [smem:$0x3FFB];
	_ =	sdelay $0x3  }
0x92: {  	_ =	strace s18  }
0x93: {  	s3 =	sld [smem:$0x3FFC];
	_ =	sdelay $0x3  }
0x94: {  	_ =	strace s3  }
0x95: {  	s3 =	sld [smem:$0x3FFD];
	_ =	sdelay $0x3  }
0x96: {  	_ =	strace s3  }
0x97: {  	_ =	strace $0x8FFFFFFF  }
0x98: {  	s19 =	sld [smem:$0x3FDB];
	_ =	sdelay $0x1  }
0x99: {  	s4 =	simm.s32 $_scs_section_size  }
0x9a: {  	s5 =	simm.s32 $_size__tile_overlayer_lowered;
	s6 =	simm.s32 $_tile_overlayer_lowered  }
0x9b: {  	s22 =	simm.s32 $0x1BFF;
	s21 =	sshll.u32 s6, $0x1;
	s3 =	sadd.s32 s4, s19  }
0x9c: {  	s7 =	simm.s32 $0x0;
	s20 =	sshll.u32 s5, $0x1;
	s5 =	sadd.s32 s21, s3  }
0x9d: {  	[timem:s7], [sflag:s22] =	dma.local [hbm:s5], s20  }
0x9e: {  	_ =	swait.ge [sflag:s22], s20  }
0x9f: {  	s4 =	ssub.s32 $0x0, s20;
	[sflag:s22] =	ssyncset.done $0x0  }
0xa0: {  	[sflag:s22] =	ssyncadd.s32 s4;
	_ =	sdelay $0x1  }
0xa1: {  	s23 =	simm.s32 $0x1B8B  }
0xa2: {  	_ =	swait.ge [sflag:s23], $0x1  }
0xa3: {  	[sflag:s23] =	ssyncset.done $0x0  }
0xa4: {  	s25 =	simm.s32 $0x1B8E;
	s24 =	sld [smem:$0x3FFE];
	[sflag:s23] =	ssyncadd.s32 $0xFFFFFFFF  }
0xa5: {  	s26 =	simm.s32 $execute0_lowered;
	[smem:$0x3FD2] =	sst s25  }
0xa6: {  	s5 =	sshll.u32 s26, $0x1;
	_ =	strace $0x80000046;
	[dreg:$0x1] =	wrdreg $0xFFFFFFFF  }
0xa7: {  	s28 =	simm.s32 $_size_execute0_lowered;
	s3 =	sadd.s32 s3, s5;
	[dreg:$0x0] =	wrdreg $0x0  }
0xa8: {  	s5 =	sshll.u32 s28, $0x1;
	[dreg:$0x2] =	wrdreg s3  }
0xa9: {  	[dreg:$0x3] =	wrdreg s5  }
0xaa: {  	[dreg:$0x4] =	wrdreg $0xC0  }
0xab: {  	_ =	task [dreg:s7], $0x5FFFF  }
0xac: {  	[dreg:$0x1] =	wrdreg $0xFFFFFFFF  }
0xad: {  	[dreg:$0x0] =	wrdreg $0x60  }
0xae: {  	[dreg:$0x2] =	wrdreg s24  }
0xaf: {  	[dreg:$0x3] =	wrdreg s2  }
0xb0: {  	[dreg:$0x4] =	wrdreg $0x3C800  }
0xb1: {  	[dreg:$0x5] =	wrdreg $0x38800  }
0xb2: {  	[dreg:$0x6] =	wrdreg $0x9  }
0xb3: {  	_ =	task.clear_ibuf [dreg:s7], $0x7FFFF;
	_ =	strace $0x90000046  }
0xb4: {  	s29 =	simm.s32 $0x9;
	_ =	strace $0x80000048  }
0xb5: {  	_ =	swait.ge [sflag:s29], $0x1  }
0xb6: {  	[sflag:s29] =	ssyncadd.s32 $0xFFFFFFFF  }
0xb7: {  	_ =	strace $0x90000048  }
0xb8: {  	_ =	sfence  }
0xb9: {  	s30 =	sld [smem:$0x0];
	_ =	sdelay $0x2  }
0xba: {  	s31 =	sshll.u32 s1, $0xD;
	s1 =	sshrl.u32 s1, $0x2  }
0xbb: {  	s3 =	sand.u32 $0x4000, s31;
	s1 =	sadd.s32 s1, s30  }
0xbc: {  	s0 =	sor.u32 s3, s0;
	s1 =	sshll.u32 s1, $0x11  }
0xbd: {  	s0 =	sor.u32 s1, s0  }
0xbe: {  	s0 =	sadd.s32 $0x8F2B, s0  }
0xbf: {  	[sflag:s0] =	ssyncadd.remote.s32 $0x1  }
0xc0: {  	_ =	sfence.sel $0xFFFF  }
0xc1: {  	[dreg:$0x0] =	wrdreg $0xFFFFFFFF;
	(pc) =	sbr.abs _section_cstart, $3  }
0xc2: {  	[dreg:$0x1] =	wrdreg $0xFFFFFFFF  }
0xc3: {  	_ =	task.clear_ibuf [dreg:s7], $0x2FFFF;
	_ =	strace $0x9FFFFFFF  }
0xc4: {  	(tm) =	ssettm $0x7FFFFFFF  }
0xc5: {  	_ =	shalt  }
tec
execute0_lowered:
.L_overlay_start_1:
0x0: {  	(tag) =	ssettag $0x1  }
0x1: {  	s0 =	rddreg [dreg:$0x0]  }
0x2: {  	s1 =	srdreg.scid;
	s15 =	rddreg [dreg:$0x2]  }
0x3: {  	s2 =	stileid.u32;
	s3 =	rddreg [dreg:$0x3]  }
0x4: {  	s4 =	simm.s32 $0x0;
	s17 =	simm.s32 $0x3;
	s28 =	simm.s32 $0x800  }
0x5: {  	s29 =	simm.s32 $0x1;
	s30 =	simm.s32 $0x400;
	s31 =	simm.s32 $0x2  }
0x6: {  	s1 =	sand.u32 $0x1, s1;
	s12 =	sshll.u32 s2, $0xA;
	[smem:$0x7FF] =	sst s4  }
0x7: {  	s11 =	sadd.s32 $0xA00, s0;
	s26 =	sshll.u32 s2, $0x7;
	p0 =	sne.s32 s2, $0x0  }
0x8: {  	s2 =	simm.s32 $0x3000;
	s5 =	sshll.u32 s1, $0xE;
	s6 =	smul.u32 $0x18000, s1  }
0x9: {  	s23 =	sshll.u32 s1, $0x4;
	s1 =	ssub.s32 $0x2, s1;
	s5 =	sor.u32 s12, s5  }
0xa: {  	_ =	strace $0x80000047;
	s24 =	sshrl.u32 s1, $0x1;
	s5 =	sshrl.u32 s5, $0x3  }
0xb: {  	s9 =	sor.u32 s12, s6;
	s1 =	ssub.s32 s1, s24;
	s12 =	sadd.s32 s12, s3  }
0xc: {  	s7 =	sadd.s32 s5, s0;
	s0 =	sadd.s32 s23, s0;
	s6 =	sshrl.u32 s9, $0x3  }
0xd: {  	s8 =	sadd.s32 $0x8000, s9;
	s10 =	sadd.s32 $0xC000, s9;
	s13 =	sadd.s32 $0x10000, s9  }
0xe: {  	s14 =	sadd.s32 $0x14000, s9;
	s5 =	sadd.s32 s11, s6;
	s6 =	sadd.s32 $0x6A00, s7  }
0xf: {  	s8 =	sshrl.u32 s8, $0x3;
	s10 =	sshrl.u32 s10, $0x3;
	s13 =	sshrl.u32 s13, $0x3  }
0x10: {  	s25 =	sshrl.u32 s14, $0x3;
	s14 =	sadd.s32 $0x7A00, s0;
	s0 =	simm.s32 $0x0  }
0x11: {  	s7 =	sadd.s32 $0x800, s5;
	s8 =	sadd.s32 s11, s8;
	s9 =	sadd.s32 s11, s10  }
0x12: {  	s10 =	sadd.s32 s11, s13;
	s11 =	sadd.s32 s11, s25;
	s13 =	sadd.s32 s26, s15  }
0x13: {  	s15 =	smax.u32 s1, $0x1;
	s19 =	sadd.s32 $0x10, s5;
	s21 =	sadd.s32 $0x20, s5  }
0x14: {  	v0 =	vimm.f32 $0.0e+00;
	v1 =	vimm.f32 $1.000000000e+00;
	vm0 =	vcmask @!p0 $0x300;
	s23 =	sadd.s32 $0x30, s5;
	s25 =	simm.s32 $0x2A80;
	s26 =	simm.s32 $0x2E80  }
.LBB2_1:
0x15: {  	s1 =	rddreg [dreg:$0x1];
	s16 =	simm.s32 $0x3C90  }
0x16: {  	[tilespmem:s16], [sflag:$0x3] =	stream.linear.gather [hbm4b:s1+s4], $0x1, $0x38;
	[tilespmem:$0x3D10] =	vst v63  }
0x17: {  	_ =	swait.ge [sflag:s17], $0x1  }
0x18: {  	[sflag:s17] =	ssyncset.done $0x0  }
0x19: {  	[sflag:s17] =	ssyncadd.s32 $0xFFFFFFFF  }
0x1a: {  	v2 =	vld [tilespmem:$0x3C90];
	[tilespmem:s4], [sflag:$0x1] =	stream.linear.gather [hbm4b:s6+s4], $0x400, $0x38  }
0x1b: {  	s20 =	simm.s32 $0x1000  }
0x1c: {  	[tilespmem:s20], [sflag:$0x2] =	stream.linear.gather [hbm4b:s5+s4], $0x80, $0x38;
	[tilespmem:$0x3D10] =	vst v63  }
0x1d: {  	s22 =	simm.s32 $0x1400  }
0x1e: {  	[tilespmem:s22], [sflag:$0x2] =	stream.linear.gather [hbm4b:s19+s4], $0x80, $0x38;
	[tilespmem:$0x3D10] =	vst v63  }
0x1f: {  	s24 =	simm.s32 $0x1800  }
0x20: {  	[tilespmem:s24], [sflag:$0x2] =	stream.linear.gather [hbm4b:s21+s4], $0x80, $0x38;
	[tilespmem:$0x3D10] =	vst v63  }
0x21: {  	s16 =	simm.s32 $0x1C00  }
0x22: {  	[tilespmem:s16], [sflag:$0x2] =	stream.linear.gather [hbm4b:s23+s4], $0x80, $0x38;
	[tilespmem:$0x3D10] =	vst v63  }
0x23: {  	s18 =	sadd.s32 $0x40, s5;
	s20 =	simm.s32 $0x2000  }
0x24: {  	[tilespmem:s20], [sflag:$0x2] =	stream.linear.gather [hbm4b:s18+s4], $0x80, $0x38;
	[tilespmem:$0x3D10] =	vst v63  }
0x25: {  	s22 =	sadd.s32 $0x50, s5;
	s24 =	simm.s32 $0x2400  }
0x26: {  	[tilespmem:s24], [sflag:$0x2] =	stream.linear.gather [hbm4b:s22+s4], $0x80, $0x38;
	[tilespmem:$0x3D10] =	vst v63  }
0x27: {  	s18 =	sadd.s32 $0x60, s5;
	s20 =	simm.s32 $0x2800  }
0x28: {  	[tilespmem:s20], [sflag:$0x2] =	stream.linear.gather [hbm4b:s18+s4], $0x80, $0x38;
	[tilespmem:$0x3D10] =	vst v63  }
0x29: {  	s22 =	sadd.s32 $0x70, s5;
	s24 =	simm.s32 $0x2C00  }
0x2a: {  	[tilespmem:s24], [sflag:$0x2] =	stream.linear.gather [hbm4b:s22+s4], $0x80, $0x38;
	[tilespmem:$0x3D10] =	vst v63  }
0x2b: {  	s16 =	simm.s32 $0x1080  }
0x2c: {  	[tilespmem:s16], [sflag:$0x2] =	stream.linear.gather [hbm4b:s7+s4], $0x80, $0x38;
	[tilespmem:$0x3D10] =	vst v63  }
0x2d: {  	s18 =	sadd.s32 $0x10, s7;
	s20 =	simm.s32 $0x1480  }
0x2e: {  	[tilespmem:s20], [sflag:$0x2] =	stream.linear.gather [hbm4b:s18+s4], $0x80, $0x38;
	[tilespmem:$0x3D10] =	vst v63  }
0x2f: {  	s22 =	sadd.s32 $0x20, s7;
	s24 =	simm.s32 $0x1880  }
0x30: {  	[tilespmem:s24], [sflag:$0x2] =	stream.linear.gather [hbm4b:s22+s4], $0x80, $0x38;
	[tilespmem:$0x3D10] =	vst v63  }
0x31: {  	s18 =	sadd.s32 $0x30, s7;
	s20 =	simm.s32 $0x1C80  }
0x32: {  	[tilespmem:s20], [sflag:$0x2] =	stream.linear.gather [hbm4b:s18+s4], $0x80, $0x38;
	[tilespmem:$0x3D10] =	vst v63  }
0x33: {  	s22 =	sadd.s32 $0x40, s7;
	s24 =	simm.s32 $0x2080  }
0x34: {  	[tilespmem:s24], [sflag:$0x2] =	stream.linear.gather [hbm4b:s22+s4], $0x80, $0x38;
	[tilespmem:$0x3D10] =	vst v63  }
0x35: {  	s18 =	sadd.s32 $0x50, s7;
	s20 =	simm.s32 $0x2480  }
0x36: {  	[tilespmem:s20], [sflag:$0x2] =	stream.linear.gather [hbm4b:s18+s4], $0x80, $0x38;
	[tilespmem:$0x3D10] =	vst v63  }
0x37: {  	s22 =	sadd.s32 $0x60, s7;
	s24 =	simm.s32 $0x2880  }
0x38: {  	[tilespmem:s24], [sflag:$0x2] =	stream.linear.gather [hbm4b:s22+s4], $0x80, $0x38;
	[tilespmem:$0x3D10] =	vst v63  }
0x39: {  	s16 =	sadd.s32 $0x70, s7;
	s18 =	simm.s32 $0x2C80  }
0x3a: {  	[tilespmem:s18], [sflag:$0x2] =	stream.linear.gather [hbm4b:s16+s4], $0x80, $0x38;
	[tilespmem:$0x3D10] =	vst v63  }
0x3b: {  	s20 =	simm.s32 $0x1100  }
0x3c: {  	[tilespmem:s20], [sflag:$0x2] =	stream.linear.gather [hbm4b:s8+s4], $0x80, $0x38;
	[tilespmem:$0x3D10] =	vst v63  }
0x3d: {  	s22 =	sadd.s32 $0x10, s8;
	s24 =	simm.s32 $0x1500  }
0x3e: {  	[tilespmem:s24], [sflag:$0x2] =	stream.linear.gather [hbm4b:s22+s4], $0x80, $0x38;
	[tilespmem:$0x3D10] =	vst v63  }
0x3f: {  	s18 =	sadd.s32 $0x20, s8;
	s20 =	simm.s32 $0x1900  }
0x40: {  	[tilespmem:s20], [sflag:$0x2] =	stream.linear.gather [hbm4b:s18+s4], $0x80, $0x38;
	[tilespmem:$0x3D10] =	vst v63  }
0x41: {  	s22 =	sadd.s32 $0x30, s8;
	s24 =	simm.s32 $0x1D00  }
0x42: {  	[tilespmem:s24], [sflag:$0x2] =	stream.linear.gather [hbm4b:s22+s4], $0x80, $0x38;
	[tilespmem:$0x3D10] =	vst v63  }
0x43: {  	s18 =	sadd.s32 $0x40, s8;
	s20 =	simm.s32 $0x2100  }
0x44: {  	[tilespmem:s20], [sflag:$0x2] =	stream.linear.gather [hbm4b:s18+s4], $0x80, $0x38;
	[tilespmem:$0x3D10] =	vst v63  }
0x45: {  	s22 =	sadd.s32 $0x50, s8;
	s24 =	simm.s32 $0x2500  }
0x46: {  	[tilespmem:s24], [sflag:$0x2] =	stream.linear.gather [hbm4b:s22+s4], $0x80, $0x38;
	[tilespmem:$0x3D10] =	vst v63  }
0x47: {  	s18 =	sadd.s32 $0x60, s8;
	s20 =	simm.s32 $0x2900  }
0x48: {  	[tilespmem:s20], [sflag:$0x2] =	stream.linear.gather [hbm4b:s18+s4], $0x80, $0x38;
	[tilespmem:$0x3D10] =	vst v63  }
0x49: {  	s22 =	sadd.s32 $0x70, s8;
	s24 =	simm.s32 $0x2D00  }
0x4a: {  	[tilespmem:s24], [sflag:$0x2] =	stream.linear.gather [hbm4b:s22+s4], $0x80, $0x38;
	[tilespmem:$0x3D10] =	vst v63  }
0x4b: {  	s16 =	simm.s32 $0x1180  }
0x4c: {  	[tilespmem:s16], [sflag:$0x2] =	stream.linear.gather [hbm4b:s9+s4], $0x80, $0x38;
	[tilespmem:$0x3D10] =	vst v63  }
0x4d: {  	s18 =	sadd.s32 $0x10, s9;
	s20 =	simm.s32 $0x1580  }
0x4e: {  	[tilespmem:s20], [sflag:$0x2] =	stream.linear.gather [hbm4b:s18+s4], $0x80, $0x38;
	[tilespmem:$0x3D10] =	vst v63  }
0x4f: {  	s22 =	sadd.s32 $0x20, s9;
	s24 =	simm.s32 $0x1980  }
0x50: {  	[tilespmem:s24], [sflag:$0x2] =	stream.linear.gather [hbm4b:s22+s4], $0x80, $0x38;
	[tilespmem:$0x3D10] =	vst v63  }
0x51: {  	s18 =	sadd.s32 $0x30, s9;
	s20 =	simm.s32 $0x1D80  }
0x52: {  	[tilespmem:s20], [sflag:$0x2] =	stream.linear.gather [hbm4b:s18+s4], $0x80, $0x38;
	[tilespmem:$0x3D10] =	vst v63  }
0x53: {  	s22 =	sadd.s32 $0x40, s9;
	s24 =	simm.s32 $0x2180  }
0x54: {  	[tilespmem:s24], [sflag:$0x2] =	stream.linear.gather [hbm4b:s22+s4], $0x80, $0x38;
	[tilespmem:$0x3D10] =	vst v63  }
0x55: {  	s18 =	sadd.s32 $0x50, s9;
	s20 =	simm.s32 $0x2580  }
0x56: {  	[tilespmem:s20], [sflag:$0x2] =	stream.linear.gather [hbm4b:s18+s4], $0x80, $0x38;
	[tilespmem:$0x3D10] =	vst v63  }
0x57: {  	s22 =	sadd.s32 $0x60, s9;
	s24 =	simm.s32 $0x2980  }
0x58: {  	[tilespmem:s24], [sflag:$0x2] =	stream.linear.gather [hbm4b:s22+s4], $0x80, $0x38;
	[tilespmem:$0x3D10] =	vst v63  }
0x59: {  	s16 =	sadd.s32 $0x70, s9;
	s18 =	simm.s32 $0x2D80  }
0x5a: {  	[tilespmem:s18], [sflag:$0x2] =	stream.linear.gather [hbm4b:s16+s4], $0x80, $0x38;
	[tilespmem:$0x3D10] =	vst v63  }
0x5b: {  	s20 =	simm.s32 $0x1200  }
0x5c: {  	[tilespmem:s20], [sflag:$0x2] =	stream.linear.gather [hbm4b:s10+s4], $0x80, $0x38;
	[tilespmem:$0x3D10] =	vst v63  }
0x5d: {  	s22 =	sadd.s32 $0x10, s10;
	s24 =	simm.s32 $0x1600  }
0x5e: {  	[tilespmem:s24], [sflag:$0x2] =	stream.linear.gather [hbm4b:s22+s4], $0x80, $0x38;
	[tilespmem:$0x3D10] =	vst v63  }
0x5f: {  	s18 =	sadd.s32 $0x20, s10;
	s20 =	simm.s32 $0x1A00  }
0x60: {  	[tilespmem:s20], [sflag:$0x2] =	stream.linear.gather [hbm4b:s18+s4], $0x80, $0x38;
	[tilespmem:$0x3D10] =	vst v63  }
0x61: {  	s22 =	sadd.s32 $0x30, s10;
	s24 =	simm.s32 $0x1E00  }
0x62: {  	[tilespmem:s24], [sflag:$0x2] =	stream.linear.gather [hbm4b:s22+s4], $0x80, $0x38;
	[tilespmem:$0x3D10] =	vst v63  }
0x63: {  	s18 =	sadd.s32 $0x40, s10;
	s20 =	simm.s32 $0x2200  }
0x64: {  	[tilespmem:s20], [sflag:$0x2] =	stream.linear.gather [hbm4b:s18+s4], $0x80, $0x38;
	[tilespmem:$0x3D10] =	vst v63  }
0x65: {  	s22 =	sadd.s32 $0x50, s10;
	s24 =	simm.s32 $0x2600  }
0x66: {  	[tilespmem:s24], [sflag:$0x2] =	stream.linear.gather [hbm4b:s22+s4], $0x80, $0x38;
	[tilespmem:$0x3D10] =	vst v63  }
0x67: {  	s18 =	sadd.s32 $0x60, s10;
	s20 =	simm.s32 $0x2A00  }
0x68: {  	[tilespmem:s20], [sflag:$0x2] =	stream.linear.gather [hbm4b:s18+s4], $0x80, $0x38;
	[tilespmem:$0x3D10] =	vst v63  }
0x69: {  	s22 =	sadd.s32 $0x70, s10;
	s24 =	simm.s32 $0x2E00  }
0x6a: {  	[tilespmem:s24], [sflag:$0x2] =	stream.linear.gather [hbm4b:s22+s4], $0x80, $0x38;
	[tilespmem:$0x3D10] =	vst v63  }
0x6b: {  	s16 =	simm.s32 $0x1280  }
0x6c: {  	[tilespmem:s16], [sflag:$0x2] =	stream.linear.gather [hbm4b:s11+s4], $0x80, $0x38;
	[tilespmem:$0x3D10] =	vst v63  }
0x6d: {  	s18 =	sadd.s32 $0x10, s11;
	s20 =	simm.s32 $0x1680  }
0x6e: {  	[tilespmem:s20], [sflag:$0x2] =	stream.linear.gather [hbm4b:s18+s4], $0x80, $0x38;
	[tilespmem:$0x3D10] =	vst v63  }
0x6f: {  	s22 =	sadd.s32 $0x20, s11;
	s24 =	simm.s32 $0x1A80  }
0x70: {  	[tilespmem:s24], [sflag:$0x2] =	stream.linear.gather [hbm4b:s22+s4], $0x80, $0x38;
	[tilespmem:$0x3D10] =	vst v63  }
0x71: {  	s18 =	sadd.s32 $0x30, s11;
	s20 =	simm.s32 $0x1E80  }
0x72: {  	[tilespmem:s20], [sflag:$0x2] =	stream.linear.gather [hbm4b:s18+s4], $0x80, $0x38;
	[tilespmem:$0x3D10] =	vst v63  }
0x73: {  	s22 =	sadd.s32 $0x40, s11;
	s24 =	simm.s32 $0x2280  }
0x74: {  	[tilespmem:s24], [sflag:$0x2] =	stream.linear.gather [hbm4b:s22+s4], $0x80, $0x38;
	[tilespmem:$0x3D10] =	vst v63  }
0x75: {  	s18 =	sadd.s32 $0x50, s11;
	s20 =	simm.s32 $0x2680  }
0x76: {  	[tilespmem:s20], [sflag:$0x2] =	stream.linear.gather [hbm4b:s18+s4], $0x80, $0x38;
	[tilespmem:$0x3D10] =	vst v63  }
0x77: {  	s22 =	sadd.s32 $0x60, s11  }
0x78: {  	[tilespmem:s25], [sflag:$0x2] =	stream.linear.gather [hbm4b:s22+s4], $0x80, $0x38;
	[tilespmem:$0x3D10] =	vst v63  }
0x79: {  	s1 =	simm.s32 $0x0;
	s24 =	sadd.s32 $0x70, s11  }
0x7a: {  	[tilespmem:s26], [sflag:$0x2] =	stream.linear.gather [hbm4b:s24+s4], $0x80, $0x38;
	[tilespmem:$0x3D10] =	vst v63  }
.LBB2_2:
0x7b: {  	p1 =	sne.s32 s1, $0xFC0  }
.Ltmp0:
0x7c: {  	_ = 	snop;
	(pc) =	sbr.rel @p1 .LBB2_2-.Ltmp0, $3  }
0x7d: {  	_ =	sdelay $0x1  }
0x7e: {  	s16 =	sshra.s32 s1, $0x2  }
0x7f: {  	s1 =	sadd.s32 $0x40, s1;
	[tilespmem:s16+$0x800] =	vst v0  }
0x80: {  	s1 =	simm.s32 $0x40;
	s16 =	simm.s32 $0x0  }
.LBB2_4:
0x81: {  	p1 =	sne.s32 s1, $0xFC0;
	[tilespmem:s16+$0x400] =	vst v1;
	s16 =	smov.u32 s1;
	s1 =	sadd.s32 $0x40, s1  }
.Ltmp1:
0x82: {  	(pc) =	sbr.rel @p1 .LBB2_4-.Ltmp1, $2  }
0x83: {  	_ =	sdelay $0x2  }
0x84: {  	s16 =	sshra.s32 s16, $0x2  }
0x85: {  	[tilespmem:s16+$0x400] =	vst v1  }
0x86: {  	[spmem:s12] =	stream.linear.scatter [tilespmem:s28], [sflag:$0x3], $0x400, $0x38;
	[tilespmem:$0x3D10] =	vst v63  }
0x87: {  	_ =	swait.ge [sflag:s17], $0x400  }
0x88: {  	[sflag:s17] =	ssyncset.done $0x0  }
0x89: {  	[sflag:s17] =	ssyncadd.s32 $0xFFFFFC00  }
0x8a: {  	_ =	swait.ge [sflag:s29], $0x400  }
0x8b: {  	[sflag:s29] =	ssyncset.done $0x0  }
0x8c: {  	[sflag:s29] =	ssyncadd.s32 $0xFFFFFC00  }
0x8d: {  	s1 =	simm.s32 $0x0;
	[bflag:$0x0] =	sbarrier.arrive $0xFFFF  }
0x8e: {  	[spmem:s3] =	stream.indirect.scatter.add.f32 [tilespmem:s30], [sflag:$0x3], $0x1, s1, s30, $0xb8;
	[tilespmem:$0x3D10] =	vst v63  }
0x8f: {  	_ =	swait.ge [sflag:s17], $0x400  }
0x90: {  	[sflag:s17] =	ssyncset.done $0x0  }
0x91: {  	[sflag:s17] =	ssyncadd.s32 $0xFFFFFC00  }
0x92: {  	s24 =	simm.s32 $0xC00;
	[bflag:$0x0] =	sbarrier.arrive $0xFFFF  }
0x93: {  	[tilespmem:s24], [sflag:$0x1] =	stream.indirect.gather [spmem:s3], $0x1, s1, s30, $0xb8;
	[tilespmem:$0x3D10] =	vst v63  }
0x94: {  	_ =	swait.ge [sflag:s31], $0x400  }
0x95: {  	[sflag:s31] =	ssyncset.done $0x0  }
0x96: {  	[sflag:s31] =	ssyncadd.s32 $0xFFFFFC00  }
0x97: {  	_ =	swait.ge [sflag:s31], $0x400  }
0x98: {  	[sflag:s31] =	ssyncset.done $0x0  }
0x99: {  	[sflag:s31] =	ssyncadd.s32 $0xFFFFFC00  }
0x9a: {  	_ =	swait.ge [sflag:s31], $0x400  }
0x9b: {  	[sflag:s31] =	ssyncset.done $0x0  }
0x9c: {  	[sflag:s31] =	ssyncadd.s32 $0xFFFFFC00  }
0x9d: {  	_ =	swait.ge [sflag:s31], $0x400  }
0x9e: {  	[sflag:s31] =	ssyncset.done $0x0  }
0x9f: {  	[sflag:s31] =	ssyncadd.s32 $0xFFFFFC00  }
0xa0: {  	_ =	swait.ge [sflag:s31], $0x400  }
0xa1: {  	[sflag:s31] =	ssyncset.done $0x0  }
0xa2: {  	[sflag:s31] =	ssyncadd.s32 $0xFFFFFC00  }
0xa3: {  	_ =	swait.ge [sflag:s31], $0x400  }
0xa4: {  	[sflag:s31] =	ssyncset.done $0x0  }
0xa5: {  	[sflag:s31] =	ssyncadd.s32 $0xFFFFFC00  }
0xa6: {  	_ =	swait.ge [sflag:s29], $0x400  }
0xa7: {  	[sflag:s29] =	ssyncset.done $0x0  }
0xa8: {  	s18 =	sand.u32 $0x70, s1;
	s1 =	sand.u32 $0x1C00, s1;
	[sflag:s29] =	ssyncadd.s32 $0xFFFFFC00  }
0xa9: {  	s1 =	sor.u32 s18, s1;
	v3 =	vld [tilespmem:s24+$0x0]  }
0xaa: {  	v4 =	vld [tilespmem:s1+$0x1180]  }
0xab: {  	v5 =	vld [tilespmem:s1+$0x1200]  }
0xac: {  	v7 =	vld [tilespmem:s1+$0x1000]  }
0xad: {  	v6 =	vld [tilespmem:s1+$0x1080];
	_ =	sdelay $0x1  }
0xae: {  	v8 =	vld [tilespmem:s1+$0x1100];
	v3 =	vmax.f32 v3, $1.000000000e-30  }
0xaf: {  	s20 =	simm.s32 $0x10;
	s22 =	simm.s32 $0x80;
	v10 =	vld [tilespmem:s1+$0x1280];
	v11 =	vshra.s32 v3, $0x1;
	v9 =	vmul.f32 $5.000000000e-01, v3  }
0xb0: {  	s16 =	sand.u32 $0x1C00, s22;
	s1 =	sand.u32 $0x70, s20;
	v4 =	vsub.f32 v7, v4;
	v3 =	vsub.s32 $0x5F3759DF, v11  }
0xb1: {  	s1 =	sor.u32 s1, s16;
	v5 =	vsub.f32 v6, v5;
	v11 =	vmul.f32 v3, v9  }
0xb2: {  	s24 =	simm.s32 $0xC10;
	v12 =	vld [tilespmem:s1+$0x1080];
	v4 =	vmul.f32 v4, v4  }
0xb3: {  	v7 =	vld [tilespmem:s24+$0x0];
	v5 =	vmul.f32 v5, v5;
	v6 =	vmul.f32 v3, v11  }
0xb4: {  	v8 =	vsub.f32 v8, v10;
	v10 =	vld [tilespmem:s1+$0x1180]  }
0xb5: {  	v4 =	vadd.f32 v5, v4;
	v5 =	vld [tilespmem:s1+$0x1100];
	v6 =	vsub.f32 $1.500000000e+00, v6  }
0xb6: {  	v8 =	vmul.f32 v8, v8;
	v11 =	vld [tilespmem:s1+$0x1200]  }
0xb7: {  	s22 =	simm.s32 $0x100;
	s20 =	simm.s32 $0x20;
	v14 =	vmul.f32 v3, v6;
	v3 =	vld [tilespmem:s1+$0x1000]  }
0xb8: {  	s16 =	sand.u32 $0x1C00, s22;
	v4 =	vadd.f32 v8, v4;
	v6 =	vld [tilespmem:s1+$0x1280];
	s1 =	sand.u32 $0x70, s20  }
0xb9: {  	v7 =	vmax.f32 v7, $1.000000000e-30;
	s1 =	sor.u32 s1, s16  }
0xba: {  	v13 =	vshra.s32 v7, $0x1;
	v16 =	vmax.f32 v4, $1.000000000e-30;
	v8 =	vmul.f32 v14, v9;
	v20 =	vld [tilespmem:s1+$0x1200]  }
0xbb: {  	v15 =	vmul.f32 $5.000000000e-01, v7;
	v7 =	vsub.s32 $0x5F3759DF, v13;
	v4 =	vshra.s32 v16, $0x1;
	v22 =	vld [tilespmem:s1+$0x1080]  }
0xbc: {  	s24 =	simm.s32 $0xC20;
	v17 =	vmul.f32 $5.000000000e-01, v16;
	v8 =	vmul.f32 v8, v14;
	v3 =	vsub.f32 v3, v10  }
0xbd: {  	v10 =	vsub.s32 $0x5F3759DF, v4;
	v4 =	vsub.f32 v12, v11;
	v11 =	vld [tilespmem:s24+$0x0];
	v12 =	vmul.f32 v7, v15  }
0xbe: {  	v5 =	vsub.f32 v5, v6;
	v13 =	vmul.f32 v10, v17;
	v6 =	vmul.f32 v3, v3  }
0xbf: {  	v19 =	vld [tilespmem:s1+$0x1180];
	v8 =	vsub.f32 $1.500000000e+00, v8;
	v4 =	vmul.f32 v4, v4;
	v12 =	vmul.f32 v7, v12  }
0xc0: {  	v21 =	vld [tilespmem:s1+$0x1000];
	v5 =	vmul.f32 v5, v5;
	v20 =	vsub.f32 v22, v20;
	v13 =	vmul.f32 v10, v13  }
0xc1: {  	v60 =	vmul.f32 v8, v14;
	v6 =	vadd.f32 v4, v6;
	v12 =	vsub.f32 $1.500000000e+00, v12  }
0xc2: {  	s22 =	simm.s32 $0x180;
	s20 =	simm.s32 $0x30;
	v23 =	vld [tilespmem:s1+$0x1100];
	v20 =	vmul.f32 v20, v20;
	v18 =	vsub.f32 $1.500000000e+00, v13;
	v4 =	vmax.f32 v11, $1.000000000e-30  }
0xc3: {  	s16 =	sand.u32 $0x1C00, s22;
	v11 =	vld [tilespmem:s1+$0x1280];
	s1 =	sand.u32 $0x70, s20;
	v24 =	vshra.s32 v4, $0x1;
	v4 =	vmul.f32 $5.000000000e-01, v4;
	v5 =	vadd.f32 v5, v6  }
0xc4: {  	v13 =	vmul.f32 v7, v12;
	s1 =	sor.u32 s1, s16;
	v12 =	vmul.f32 v10, v18  }
0xc5: {  	v6 =	vsub.s32 $0x5F3759DF, v24;
	v26 =	vld [tilespmem:s1+$0x1200];
	v18 =	vmax.f32 v5, $1.000000000e-30;
	v5 =	vsub.f32 v21, v19  }
0xc6: {  	v29 =	vld [tilespmem:s1+$0x1080];
	v7 =	vmul.f32 v6, v4;
	v10 =	vshra.s32 v18, $0x1;
	v19 =	vmul.f32 $5.000000000e-01, v18  }
0xc7: {  	s24 =	simm.s32 $0xC30;
	v24 =	vmul.f32 v12, v17;
	v21 =	vsub.s32 $0x5F3759DF, v10;
	v5 =	vmul.f32 v5, v5  }
0xc8: {  	v22 =	vld [tilespmem:s24+$0x0];
	v7 =	vmul.f32 v6, v7;
	v10 =	vsub.f32 v23, v11;
	v23 =	vmul.f32 v13, v15  }
0xc9: {  	v11 =	vmul.f32 v21, v19;
	v24 =	vmul.f32 v24, v12  }
0xca: {  	v25 =	vld [tilespmem:s1+$0x1100];
	v7 =	vsub.f32 $1.500000000e+00, v7;
	v10 =	vmul.f32 v10, v10;
	v5 =	vadd.f32 v20, v5  }
0xcb: {  	v27 =	vld [tilespmem:s1+$0x1280];
	v23 =	vmul.f32 v23, v13;
	v26 =	vsub.f32 v29, v26;
	v11 =	vmul.f32 v21, v11  }
0xcc: {  	v20 =	vld [tilespmem:s1+$0x1180];
	v24 =	vsub.f32 $1.500000000e+00, v24;
	v7 =	vmul.f32 v6, v7;
	v6 =	vadd.f32 v10, v5  }
0xcd: {  	v5 =	vmax.f32 v22, $1.000000000e-30;
	v22 =	vld [tilespmem:s1+$0x1000];
	v26 =	vmul.f32 v26, v26;
	v11 =	vsub.f32 $1.500000000e+00, v11  }
0xce: {  	v28 =	vshra.s32 v5, $0x1;
	v5 =	vmul.f32 $5.000000000e-01, v5;
	v12 =	vmul.f32 v24, v12  }
0xcf: {  	v10 =	vmul.f32 v7, v4;
	v6 =	vmax.f32 v6, $1.000000000e-30;
	v28 =	vsub.s32 $0x5F3759DF, v28  }
0xd0: {  	s20 =	simm.s32 $0xC40;
	v31 =	vshra.s32 v6, $0x1;
	v24 =	vmul.f32 v28, v5;
	v21 =	vmul.f32 v21, v11  }
0xd1: {  	v11 =	vsub.f32 v25, v27;
	v17 =	vmul.f32 v12, v17;
	v25 =	vld [tilespmem:s20+$0x0];
	v30 =	vmul.f32 v10, v7  }
0xd2: {  	v10 =	vmul.f32 $5.000000000e-01, v6;
	v20 =	vsub.f32 v22, v20;
	v22 =	vmul.f32 v28, v24  }
0xd3: {  	v31 =	vsub.s32 $0x5F3759DF, v31;
	v27 =	vmul.f32 v21, v19;
	v17 =	vmul.f32 v17, v12  }
0xd4: {  	s22 =	simm.s32 $0x40;
	s24 =	simm.s32 $0x200;
	v23 =	vsub.f32 $1.500000000e+00, v23;
	v11 =	vmul.f32 v11, v11;
	v32 =	vmul.f32 v31, v10  }
0xd5: {  	s16 =	sand.u32 $0x1C00, s24;
	s1 =	sand.u32 $0x70, s22;
	v20 =	vmul.f32 v20, v20;
	v22 =	vsub.f32 $1.500000000e+00, v22;
	v17 =	vsub.f32 $1.500000000e+00, v17  }
0xd6: {  	s1 =	sor.u32 s1, s16;
	v27 =	vmul.f32 v27, v21;
	v24 =	vmul.f32 v31, v32;
	v14 =	vmax.f32 v25, $1.000000000e-30  }
0xd7: {  	v29 =	vld [tilespmem:s1+$0x1180];
	v8 =	vmul.f32 v28, v22;
	v12 =	vmul.f32 v17, v12;
	v20 =	vadd.f32 v26, v20  }
0xd8: {  	v17 =	vld [tilespmem:s1+$0x1000];
	v22 =	vmul.f32 v60, v9;
	v9 =	vmul.f32 $5.000000000e-01, v14;
	v27 =	vsub.f32 $1.500000000e+00, v27  }
0xd9: {  	v24 =	vsub.f32 $1.500000000e+00, v24;
	v25 =	vmul.f32 v8, v5;
	v12 =	vmul.f32 v12, v16  }
0xda: {  	v11 =	vadd.f32 v11, v20;
	v16 =	vld [tilespmem:s1+$0x1100];
	v22 =	vmul.f32 v22, v60;
	v21 =	vmul.f32 v27, v21  }
0xdb: {  	v26 =	vshra.s32 v14, $0x1;
	v24 =	vmul.f32 v31, v24;
	v31 =	vld [tilespmem:s1+$0x1200];
	v20 =	vmul.f32 v25, v8  }
0xdc: {  	v25 =	vsub.s32 $0x5F3759DF, v26;
	v26 =	vld [tilespmem:s1+$0x1280];
	v12 =	vmul.f32 $-4.000000000e+01, v12;
	v11 =	vmax.f32 v11, $1.000000000e-30  }
0xdd: {  	v19 =	vmul.f32 v21, v19;
	v28 =	vmul.f32 v25, v9;
	v17 =	vsub.f32 v17, v29;
	v29 =	vld [tilespmem:s1+$0x1080]  }
0xde: {  	v33 =	vshra.s32 v11, $0x1;
	v14 =	vmul.f32 $5.000000000e-01, v11;
	v12 =	vmul.f32 $1.442695020e+00, v12  }
0xdf: {  	v33 =	vsub.s32 $0x5F3759DF, v33;
	v19 =	vmul.f32 v19, v21;
	v34 =	vmul.f32 v17, v17  }
0xe0: {  	s16 =	simm.s32 $0xC50;
	v17 =	vsub.f32 $1.500000000e+00, v30;
	(erf) = vpow2.f32 v12;
	v12 =	vsub.f32 $1.500000000e+00, v20  }
0xe1: {  	s18 =	simm.s32 $0x50;
	s20 =	simm.s32 $0x280;
	v20 =	vld [tilespmem:s16+$0x0];
	v26 =	vsub.f32 v16, v26;
	v16 =	vmul.f32 v25, v28;
	v28 =	vmul.f32 v24, v10  }
0xe2: {  	s22 =	sand.u32 $0x70, s18;
	s24 =	sand.u32 $0x1C00, s20;
	v27 =	vmul.f32 v33, v14;
	v19 =	vsub.f32 $1.500000000e+00, v19;
	v29 =	vsub.f32 v29, v31  }
0xe3: {  	s1 =	sor.u32 s22, s24;
	v30 =	vsub.f32 $1.500000000e+00, v16;
	v28 =	vmul.f32 v28, v24;
	v16 =	vmul.f32 v23, v13  }
0xe4: {  	v19 =	vmul.f32 v19, v21;
	v23 =	vld [tilespmem:s1+$0x1100];
	v29 =	vmul.f32 v29, v29  }
0xe5: {  	v13 =	vmul.f32 v25, v30;
	v25 =	vld [tilespmem:s1+$0x1280];
	v31 =	vsub.f32 $1.500000000e+00, v28;
	v28 =	vmul.f32 v16, v15  }
0xe6: {  	v15 =	vmax.f32 v20, $1.000000000e-30;
	v20 =	vmul.f32 v26, v26;
	v21 =	vadd.f32 v29, v34  }
0xe7: {  	v22 =	vsub.f32 $1.500000000e+00, v22;
	v27 =	vmul.f32 v33, v27;
	v26 =	vmul.f32 v13, v9  }
0xe8: {  	v35 =	vld [tilespmem:s1+$0x1180];
	v18 =	vmul.f32 v19, v18;
	v20 =	vadd.f32 v20, v21  }
0xe9: {  	v36 =	vld [tilespmem:s1+$0x1000];
	v27 =	vsub.f32 $1.500000000e+00, v27;
	v29 =	vmul.f32 v22, v60;
	v61 =	vmul.f32 v26, v13  }
0xea: {  	v26 =	vsub.f32 v23, v25;
	v25 =	vmul.f32 $-4.000000000e+01, v18;
	v18 =	vmax.f32 v20, $1.000000000e-30  }
0xeb: {  	v19 =	vmul.f32 v33, v27;
	v23 =	vpop (erf);
	v27 =	vshra.s32 v18, $0x1  }
0xec: {  	v62 =	vmul.f32 v23, v29;
	v23 =	vsub.s32 $0x5F3759DF, v27;
	v27 =	vld [tilespmem:s1+$0x1200]  }
0xed: {  	v3 =	vimm.f32 $0.0e+00;
	v63 =	vmul.f32 $1.442695020e+00, v25;
	v25 =	vmul.f32 v31, v24;
	v31 =	vld [tilespmem:s1+$0x1080]  }
0xee: {  	v22 =	vshra.s32 v15, $0x1;
	v15 =	vmul.f32 $5.000000000e-01, v15;
	v20 =	vsub.f32 v36, v35  }
0xef: {  	v21 =	vsub.s32 $0x5F3759DF, v22;
	v22 =	vmul.f32 v28, v16;
	v29 =	vmul.f32 $5.000000000e-01, v18  }
0xf0: {  	v30 =	vmul.f32 v21, v15;
	v28 =	vmul.f32 v20, v20;
	v20 =	vsub.f32 $1.500000000e+00, v61  }
0xf1: {  	s18 =	simm.s32 $0x60;
	s16 =	simm.s32 $0xC60;
	s1 =	simm.s32 $0x300;
	v32 =	vmul.f32 v23, v29;
	v24 =	vsub.f32 $1.000000000e+00, v62;
	(erf) = vpow2.f32 v63  }
.LBB2_6:
0xf2: {  	v31 =	vsub.f32 v31, v27;
	s20 =	smov.u32 s18  }
0xf3: {  	s22 =	sand.u32 $0x70, s18;
	s24 =	sand.u32 $0x1C00, s1;
	v27 =	vmul.f32 v21, v30;
	v30 =	vmul.f32 v25, v10;
	v10 =	vmovc v14;
	v14 =	vmov v29;
	s20 =	sadd.s32 $0x10, s18  }
0xf4: {  	p1 =	sne.s32 s18, $0x3F0;
	s22 =	sor.u32 s22, s24;
	v32 =	vmul.f32 v23, v32;
	v33 =	vmul.f32 v19, v10;
	v24 =	vand.u32 $0x7FFFFFFF, v24;
	v29 =	vld [tilespmem:s16+$0x0]  }
0xf5: {  	v35 =	vsub.f32 $1.500000000e+00, v27;
	v30 =	vmul.f32 v30, v25;
	v3 =	vadd.f32 v24, v3;
	v34 =	vld [tilespmem:s22+$0x1100]  }
0xf6: {  	v36 =	vmul.f32 v17, v7;
	v7 =	vmovc v8;
	v8 =	vmovc v13;
	v32 =	vsub.f32 $1.500000000e+00, v32;
	v33 =	vmul.f32 v33, v19;
	v24 =	vld [tilespmem:s22+$0x1180]  }
0xf7: {  	v22 =	vsub.f32 $1.500000000e+00, v22;
	v17 =	vmovc v12;
	v12 =	vmovc v20;
	v13 =	vmul.f32 v21, v35;
	v21 =	vsub.f32 $1.500000000e+00, v30;
	v27 =	vld [tilespmem:s22+$0x1200]  }
0xf8: {  	v30 =	vmul.f32 v31, v31;
	v35 =	vmul.f32 v36, v4;
	v4 =	vmovc v5;
	v5 =	vmovc v9;
	v33 =	vsub.f32 $1.500000000e+00, v33;
	v20 =	vld [tilespmem:s22+$0x1280]  }
0xf9: {  	v26 =	vmul.f32 v26, v26;
	v9 =	vmovc v15;
	v21 =	vmul.f32 v21, v25;
	v31 =	vld [tilespmem:s22+$0x1080];
	v29 =	vmax.f32 v29, $1.000000000e-30  }
0xfa: {  	v37 =	vmul.f32 v22, v16;
	v16 =	vmovc v36;
	v28 =	vadd.f32 v30, v28;
	v30 =	vmul.f32 v13, v9;
	v25 =	vld [tilespmem:s22+$0x1000]  }
0xfb: {  	v22 =	vshra.s32 v29, $0x1;
	v15 =	vmul.f32 $5.000000000e-01, v29;
	v29 =	vmul.f32 v21, v6;
	v36 =	vpop (erf)  }
0xfc: {  	v32 =	vmul.f32 v23, v32;
	v28 =	vadd.f32 v26, v28;
	v38 =	vmul.f32 v30, v13;
	v6 =	vmovc v11  }
0xfd: {  	v11 =	vmovc v18;
	v21 =	vsub.s32 $0x5F3759DF, v22;
	v26 =	vsub.f32 v34, v20;
	v20 =	vmul.f32 $-4.000000000e+01, v29  }
.Ltmp2:
0xfe: {  	v22 =	vmul.f32 v35, v16;
	v30 =	vmul.f32 v21, v15;
	v18 =	vmax.f32 v28, $1.000000000e-30;
	(pc) =	sbr.rel @p1 .LBB2_6-.Ltmp2, $4  }
0xff: {  	v23 =	vshra.s32 v18, $0x1;
	v34 =	vmul.f32 v36, v37;
	v24 =	vsub.f32 v25, v24  }
0x100: {  	v29 =	vmul.f32 $5.000000000e-01, v18;
	v23 =	vsub.s32 $0x5F3759DF, v23;
	v35 =	vmul.f32 $1.442695020e+00, v20  }
0x101: {  	v20 =	vsub.f32 $1.500000000e+00, v38;
	v25 =	vmul.f32 v33, v19;
	v19 =	vmovc v32;
	v28 =	vmul.f32 v24, v24  }
0x102: {  	s1 =	sadd.s32 $0x80, s1;
	s16 =	sadd.s32 $0x10, s16;
	s18 =	smov.u32 s20;
	v32 =	vmul.f32 v23, v29;
	v24 =	vsub.f32 $1.000000000e+00, v34;
	(erf) = vpow2.f32 v35  }
0x103: {  	v27 =	vsub.f32 v31, v27;
	_ =	sdelay $0x1  }
0x104: {  	v27 =	vmul.f32 v27, v27;
	_ =	sdelay $0x1  }
0x105: {  	v26 =	vmul.f32 v26, v26;
	v27 =	vadd.f32 v27, v28;
	_ =	sdelay $0x1  }
0x106: {  	v26 =	vadd.f32 v26, v27;
	_ =	sdelay $0x1  }
0x107: {  	v26 =	vmax.f32 v26, $1.000000000e-30  }
0x108: {  	v49 =	vshra.s32 v26, $0x1;
	v50 =	vmul.f32 $5.000000000e-01, v26  }
0x109: {  	v27 =	vsub.s32 $0x5F3759DF, v49  }
0x10a: {  	v51 =	vmul.f32 v23, v32;
	v52 =	vmul.f32 v27, v50;
	_ =	sdelay $0x1  }
0x10b: {  	v31 =	vsub.f32 $1.500000000e+00, v51;
	v32 =	vmul.f32 v27, v52  }
0x10c: {  	v33 =	vmul.f32 v19, v14  }
0x10d: {  	v53 =	vmul.f32 v23, v31;
	v54 =	vsub.f32 $1.500000000e+00, v32  }
0x10e: {  	v55 =	vmul.f32 v33, v19  }
0x10f: {  	v56 =	vmul.f32 v53, v29;
	v27 =	vmul.f32 v27, v54  }
0x110: {  	v30 =	vmul.f32 v21, v30;
	v10 =	vmul.f32 v25, v10;
	v57 =	vsub.f32 $1.500000000e+00, v55  }
0x111: {  	v58 =	vmul.f32 v56, v53;
	v59 =	vmul.f32 v27, v50  }
0x112: {  	v7 =	vmul.f32 v17, v7;
	v30 =	vsub.f32 $1.500000000e+00, v30;
	v60 =	vmul.f32 v57, v19  }
0x113: {  	v10 =	vmul.f32 v10, v25;
	v61 =	vsub.f32 $1.500000000e+00, v58;
	v62 =	vmul.f32 v59, v27  }
0x114: {  	v63 =	vmul.f32 v21, v30;
	v30 =	vmul.f32 v60, v14  }
0x115: {  	v8 =	vmul.f32 v12, v8;
	v17 =	vmul.f32 v61, v53;
	v32 =	vsub.f32 $1.500000000e+00, v62  }
0x116: {  	v48 =	vmul.f32 v20, v13;
	v10 =	vsub.f32 $1.500000000e+00, v10;
	v14 =	vmul.f32 v30, v60  }
0x117: {  	v33 =	vmul.f32 v17, v29;
	v23 =	vmul.f32 v32, v27  }
0x118: {  	v4 =	vmul.f32 v7, v4;
	v10 =	vmul.f32 v10, v25;
	v14 =	vsub.f32 $1.500000000e+00, v14  }
0x119: {  	v22 =	vsub.f32 $1.500000000e+00, v22;
	v35 =	vmul.f32 v33, v17;
	v36 =	vmul.f32 v23, v50  }
0x11a: {  	v6 =	vmul.f32 v10, v6;
	v37 =	vmul.f32 v14, v60  }
0x11b: {  	v16 =	vmul.f32 v22, v16;
	v39 =	vsub.f32 $1.500000000e+00, v35;
	v40 =	vmul.f32 v36, v23  }
0x11c: {  	v6 =	vmul.f32 $-4.000000000e+01, v6;
	v10 =	vmul.f32 v37, v11  }
0x11d: {  	v34 =	vmul.f32 v63, v15;
	v41 =	vmul.f32 v39, v17;
	v42 =	vsub.f32 $1.500000000e+00, v40  }
0x11e: {  	v6 =	vmul.f32 $1.442695020e+00, v6;
	v10 =	vmul.f32 $-4.000000000e+01, v10  }
0x11f: {  	v11 =	vmul.f32 v41, v18;
	v17 =	vmul.f32 v42, v23  }
0x120: {  	(erf) = vpow2.f32 v6;
	v43 =	vmul.f32 $1.442695020e+00, v10  }
0x121: {  	v44 =	vmul.f32 $-4.000000000e+01, v11;
	v45 =	vmul.f32 v17, v26  }
0x122: {  	v38 =	vmul.f32 v34, v63;
	(erf) = vpow2.f32 v43  }
0x123: {  	v46 =	vmul.f32 $1.442695020e+00, v44;
	v47 =	vmul.f32 $-4.000000000e+01, v45  }
0x124: {  	v5 =	vmul.f32 v8, v5;
	v4 =	vmul.f32 v4, v7;
	v49 =	vsub.f32 $1.500000000e+00, v38  }
0x125: {  	(erf) = vpow2.f32 v46;
	v50 =	vmul.f32 $1.442695020e+00, v47  }
0x126: {  	v9 =	vmul.f32 v48, v9;
	v12 =	vmul.f32 v49, v63  }
0x127: {  	v5 =	vmul.f32 v5, v8;
	v4 =	vsub.f32 $1.500000000e+00, v4;
	v51 =	vpop (erf);
	(erf) = vpow2.f32 v50  }
0x128: {  	v9 =	vmul.f32 v9, v48;
	v54 =	vmul.f32 v12, v15  }
0x129: {  	v5 =	vsub.f32 $1.500000000e+00, v5;
	v4 =	vmul.f32 v4, v7;
	v52 =	vmul.f32 v51, v16  }
0x12a: {  	v55 =	vand.u32 $0x7FFFFFFF, v24;
	v56 =	vsub.f32 $1.500000000e+00, v9;
	v57 =	vmul.f32 v54, v12;
	v53 =	vpop (erf)  }
0x12b: {  	v5 =	vmul.f32 v5, v8;
	v6 =	vsub.f32 $1.000000000e+00, v52;
	v4 =	vmul.f32 v53, v4  }
0x12c: {  	v3 =	vadd.f32 v55, v3;
	v7 =	vmul.f32 v56, v48;
	v8 =	vsub.f32 $1.500000000e+00, v57;
	v58 =	vpop (erf)  }
0x12d: {  	v6 =	vand.u32 $0x7FFFFFFF, v6;
	v4 =	vsub.f32 $1.000000000e+00, v4;
	v5 =	vmul.f32 v58, v5  }
0x12e: {  	v3 =	vadd.f32 v6, v3;
	v61 =	vmul.f32 v8, v12;
	v59 =	vpop (erf)  }
0x12f: {  	v4 =	vand.u32 $0x7FFFFFFF, v4;
	v5 =	vsub.f32 $1.000000000e+00, v5;
	v60 =	vmul.f32 v59, v7  }
0x130: {  	v3 =	vadd.f32 v4, v3;
	v62 =	vpop (erf)  }
0x131: {  	v5 =	vand.u32 $0x7FFFFFFF, v5;
	v6 =	vsub.f32 $1.000000000e+00, v60;
	v4 =	vmul.f32 v62, v61  }
0x132: {  	v3 =	vadd.f32 v5, v3  }
0x133: {  	v63 =	vand.u32 $0x7FFFFFFF, v6;
	v4 =	vsub.f32 $1.000000000e+00, v4  }
0x134: {  	v3 =	vadd.f32 v63, v3  }
0x135: {  	v4 =	vand.u32 $0x7FFFFFFF, v4  }
0x136: {  	v3 =	vadd.f32 v4, v3;
	_ =	sdelay $0x1  }
0x137: {  	[tilespmem:$0x3000] =	vst v3  }
0x138: {  	[spmem:s13] =	stream.linear.scatter [tilespmem:s2], [sflag:$0x3], $0x80, $0x38;
	[tilespmem:$0x3D10] =	vst v63  }
0x139: {  	_ =	swait.ge [sflag:s17], $0x80  }
0x13a: {  	[sflag:s17] =	ssyncset.done $0x0  }
0x13b: {  	[sflag:s17] =	ssyncadd.s32 $0xFFFFFF80  }
0x13c: {  	[bflag:$0x0] =	sbarrier.arrive $0xFFFF  }
0x13d: {  	(v2sf) =	vpush @!p0 v2, $0x0;
	_ =	sdelay $0xc  }
0x13e: {  	s1 =	simm.s32 @!p0 $0x3080;
	s16 =	rddreg [dreg:$0x2]  }
0x13f: {  	[tilespmem:s1], [sflag:$0x3] =	stream.linear.gather @!p0 [spmem:s16], $0x800, $0x38;
	[tilespmem:$0x3D10] =	vst v63  }
0x140: {  	s16 =	simm.s32 @!p0 $0x3;
	s1 =	spop @!p0 (v2sf)  }
0x141: {  	_ =	swait.ge @!p0 [sflag:s16], $0x800  }
0x142: {  	[sflag:s16] =	ssyncset.done @!p0 $0x0  }
0x143: {  	[sflag:s16] =	ssyncadd.s32 @!p0 $0xFFFFF800  }
0x144: {  	v2 =	vld @!p0 [tilespmem:$0x3080]  }
0x145: {  	v3 =	vld @!p0 [tilespmem:$0x3100];
	_ =	sdelay $0x1  }
0x146: {  	v4 =	vld @!p0 [tilespmem:$0x3180];
	_ =	sdelay $0x1  }
0x147: {  	v5 =	vld @!p0 [tilespmem:$0x3200]  }
0x148: {  	v2 =	vadd.f32 @!p0 v3, v2  }
0x149: {  	v3 =	vld @!p0 [tilespmem:$0x3280]  }
0x14a: {  	v2 =	vadd.f32 @!p0 v4, v2  }
0x14b: {  	v4 =	vld @!p0 [tilespmem:$0x3300]  }
0x14c: {  	v2 =	vadd.f32 @!p0 v5, v2  }
0x14d: {  	v5 =	vld @!p0 [tilespmem:$0x3380]  }
0x14e: {  	v2 =	vadd.f32 @!p0 v3, v2  }
0x14f: {  	v3 =	vld @!p0 [tilespmem:$0x3400]  }
0x150: {  	v2 =	vadd.f32 @!p0 v4, v2  }
0x151: {  	v4 =	vld @!p0 [tilespmem:$0x3480]  }
0x152: {  	v2 =	vadd.f32 @!p0 v5, v2  }
0x153: {  	v5 =	vld @!p0 [tilespmem:$0x3500]  }
0x154: {  	v2 =	vadd.f32 @!p0 v3, v2  }
0x155: {  	v3 =	vld @!p0 [tilespmem:$0x3580]  }
0x156: {  	v2 =	vadd.f32 @!p0 v4, v2  }
0x157: {  	v4 =	vld @!p0 [tilespmem:$0x3600]  }
0x158: {  	v2 =	vadd.f32 @!p0 v5, v2  }
0x159: {  	v5 =	vld @!p0 [tilespmem:$0x3680]  }
0x15a: {  	v2 =	vadd.f32 @!p0 v3, v2  }
0x15b: {  	v3 =	vld @!p0 [tilespmem:$0x3700]  }
0x15c: {  	v2 =	vadd.f32 @!p0 v4, v2  }
0x15d: {  	v4 =	vld @!p0 [tilespmem:$0x3780]  }
0x15e: {  	v2 =	vadd.f32 @!p0 v5, v2  }
0x15f: {  	v5 =	vld @!p0 [tilespmem:$0x3800]  }
0x160: {  	v2 =	vadd.f32 @!p0 v3, v2;
	_ =	sdelay $0x1  }
0x161: {  	v2 =	vadd.f32 @!p0 v4, v2;
	_ =	sdelay $0x1  }
0x162: {  	v2 =	vadd.f32 @!p0 v5, v2;
	_ =	sdelay $0x1  }
0x163: {  	(xrf2) =	vadd.scan.msk.f32 @!p0 $0xffff, v2;
	_ =	sdelay $0x9  }
0x164: {  	v2, _, _ =	vpop @!p0 (xrf2)  }
0x165: {  	(v2sf) =	vpush @!p0 v2, $0xF;
	_ =	sdelay $0xe  }
0x166: {  	s18 =	spop @!p0 (v2sf)  }
0x167: {  	s1 =	smul.f32 @!p0 s18, s1;
	_ =	sdelay $0x1  }
0x168: {  	s0 =	sadd.s32 $0x1, s0;
	v2 =	vmov @!p0 s1  }
0x169: {  	p1 =	sne.s32 s0, s15;
	v2 =	vnsel @!p0 vm0, $0x0, v2  }
.Ltmp3:
0x16a: {  	s18 =	simm.s32 @!p0 $0x3000;
	s1 =	simm.s32 @!p0 $0x0;
	[tilespmem:$0x3000] =	vst @!p0 v2;
	(pc) =	sbr.rel @p1 .LBB2_1-.Ltmp3, $4  }
0x16b: {  	[hbm4b:s14+s1] =	stream.linear.scatter @!p0 [tilespmem:s18], [sflag:$0x3], $0x80, $0x38;
	[tilespmem:$0x3D10] =	vst v63  }
0x16c: {  	_ =	swait.ge @!p0 [sflag:s16], $0x80  }
0x16d: {  	[sflag:s16] =	ssyncset.done @!p0 $0x0  }
0x16e: {  	[sflag:s16] =	ssyncadd.s32 @!p0 $0xFFFFFF80  }
0x16f: {  	_ =	sfence.sel $0x180000  }
0x170: {  	[bflag:$0x0] =	sbarrier.arrive $0xFFFF  }
0x171: {  	_ =	strace $0x90000047  }
0x172: {  	[bflag:$0x2] =	sbarrier.arrive $0xFFFF  }
0x173: {  	s0 =	rddreg [dreg:$0x4]  }
0x174: {  	s0 =	sadd.s32 @!p0 $0x100000, s0  }
0x175: {  	[sflag:s0] =	ssyncadd.tile.s32 @!p0 $0x1;
	_ =	shalt  }
.Lfunc_end2:
_tile_overlayer_lowered:
.L_overlay_start_2:
0x176: {  	(tag) =	ssettag $0x2  }
0x177: {  	s0 =	rddreg [dreg:$0x0];
	s2 =	stileid.u32  }
0x178: {  	s1 =	rddreg [dreg:$0x1];
	p0 =	sne.s32 s2, $0x0  }
0x179: {  	s3 =	rddreg [dreg:$0x2];
	[bflag:$0x3] =	sbarrier.arrive $0xFFFF;
	s2 =	simm.s32 @!p0 $0x1C03  }
0x17a: {  	[timem:s3], [sflag:s2] =	dma.local @!p0 [hbm:s0], s1  }
0x17b: {  	s0 =	simm.s32 @!p0 $0x3  }
0x17c: {  	_ =	swait.ge @!p0 [sflag:s0], s1  }
0x17d: {  	s1 =	ssub.s32 @!p0 $0x0, s1;
	[sflag:s0] =	ssyncset.done @!p0 $0x0  }
0x17e: {  	[sflag:s0] =	ssyncadd.s32 @!p0 s1  }
0x17f: {  	[bflag:$0x3] =	sbarrier.arrive $0xFFFF  }
0x180: {  	_ =	shalt  }

</sc_bundles>
